<compile_context>
chip_gen: v7x
topology: tpu7x:2x2x1
jax: 0.10.2.dev20260603
libtpu: 0.0.44.dev20260713+nightly
codegen_flags: <defaults>
</compile_context>

<pallas_src>
import functools
import math

import jax
import jax.numpy as jnp
from jax import lax
from jax.experimental import pallas as pl
from jax.experimental.pallas import tpu as pltpu
from jax.experimental.pallas import tpu_sc as plsc

_NC = 2
_NS = 16
_NW = _NC * _NS
_LANES = 16

_NBUF = 4


@functools.lru_cache(maxsize=None)
def _build(n_seq, seq_len, vocab, d_model, scale):
    rows_per_w = n_seq // _NW
    assert n_seq % _NW == 0
    c0 = min(128, seq_len - seq_len % 8 if seq_len <= 128 else 128)
    lens = (c0, seq_len - c0)
    offs = (0, c0)
    assert all(l % 8 == 0 and 0 < l <= 128 for l in lens)
    n_chunks = rows_per_w * 2
    assert n_chunks % _NBUF == 0
    d_regs = d_model // _LANES

    mesh = plsc.VectorSubcoreMesh(core_axis_name="c", subcore_axis_name="s")

    @functools.partial(
        pl.kernel,
        mesh=mesh,
        out_type=jax.ShapeDtypeStruct((n_seq, seq_len, d_model), jnp.float32),
        scratch_types=[
            pltpu.VMEM((rows_per_w, seq_len), jnp.int32),
            [pltpu.VMEM((lens[b % 2], d_model), jnp.float32)
             for b in range(_NBUF)],
            [pltpu.SemaphoreType.DMA for _ in range(_NBUF)],
            [pltpu.SemaphoreType.DMA for _ in range(_NBUF)],
        ],
        compiler_params=pltpu.CompilerParams(use_tc_tiling_on_sc=False),
    )
    def emb(x_hbm, table_hbm, out_hbm, idx_v, rows_v, gsems, osems):
        wid = lax.axis_index("s") * _NC + lax.axis_index("c")
        base = wid * rows_per_w

        pltpu.sync_copy(x_hbm.at[pl.ds(base, rows_per_w)], idx_v)

        def gdesc(g, b):
            r = g // 2
            return pltpu.make_async_copy(
                table_hbm.at[idx_v.at[r, pl.ds(offs[b % 2], lens[b % 2])]],
                rows_v[b],
                gsems[b],
            )

        def wdesc(g, b):
            r = g // 2
            return pltpu.make_async_copy(
                rows_v[b],
                out_hbm.at[base + r, pl.ds(offs[b % 2], lens[b % 2])],
                osems[b],
            )

        def scale_and_emit(g, b):
            gdesc(g, b).wait()

            @plsc.parallel_loop(0, lens[b % 2], 1, unroll=8)
            def _(i):
                for j in range(d_regs):
                    sl = pl.ds(j * _LANES, _LANES)
                    rows_v[b][i, sl] = rows_v[b][i, sl] * scale

            wdesc(g, b).start()

        for b in range(_NBUF):
            gdesc(b, b).start()

        def outer(go, carry):
            g0 = go * _NBUF
            for b in range(_NBUF):
                scale_and_emit(g0 + b, b)
            @pl.when(g0 + _NBUF < n_chunks)
            def _():
                for b in range(_NBUF):
                    wdesc(g0 + b, b).wait()
                    gdesc(g0 + _NBUF + b, b).start()

            return carry

        lax.fori_loop(0, n_chunks // _NBUF, outer, 0)

        for b in range(_NBUF):
            wdesc(n_chunks - _NBUF + b, b).wait()

    return emb


def kernel(x, table):
    vocab, d_model = table.shape
    n_seq, seq_len = x.shape
    scale = float(math.sqrt(d_model))
    xi = x.astype(jnp.int32)
    return _build(n_seq, seq_len, vocab, d_model, scale)(xi, table)

# --- scband reference (transcript-rebuilt; emitter-appended) ---
"""Pipeline reference for scband-word-embedding-12824772346346 (READ-ONLY COPY).

The authoritative reference and input builder live on the scoring server;
editing this copy changes nothing except your own understanding.
"""

import jax, jax.numpy as jnp
import numpy as np
import math

VOCAB = 1000000
D_MODEL = 64
PADDING_IDX = 0

def setup_inputs(seed: int = 0) -> dict:
    key = jax.random.key(seed)
    k1, k2 = jax.random.split(key)
    x = jax.random.randint(k1, (4096, 200), 0, VOCAB, dtype=jnp.int64)
    table = jax.random.normal(k2, (VOCAB, D_MODEL), dtype=jnp.float32)
    # padding_idx row is initialized to zeros in torch nn.Embedding
    table = table.at[PADDING_IDX].set(0.0)
    return {"x": x, "table": table}

def reference(x, table):
    # faithful to: self.embedding(x) * math.sqrt(self.d_model)
    emb = jnp.take(table, x, axis=0)
    return emb * math.sqrt(D_MODEL)

if __name__ == "__main__":
    import jax
    _d = setup_inputs()
    print(jax.jit(kernel)(*tuple(_d.values())))

</pallas_src>

<mosaic_0001>
#map = affine_map<(d0, d1) -> (0, 0)>
#map1 = affine_map<(d0, d1) -> (0, 0, 0)>
module attributes {stable_mosaic.version = 14 : i64} {
  func.func @emb(%arg0: i32, %arg1: i32, %arg2: memref<4096x200xi32, #tpu.memory_space<hbm>>, %arg3: memref<1000000x64xf32, #tpu.memory_space<hbm>>, %arg4: memref<4096x200x64xf32, #tpu.memory_space<hbm>>, %arg5: memref<128x200xi32, #tpu.memory_space<vmem>>, %arg6: memref<128x64xf32, #tpu.memory_space<vmem>>, %arg7: memref<72x64xf32, #tpu.memory_space<vmem>>, %arg8: memref<128x64xf32, #tpu.memory_space<vmem>>, %arg9: memref<72x64xf32, #tpu.memory_space<vmem>>, %arg10: memref<!tpu.dma_semaphore, #tpu.memory_space<semaphore_mem>>, %arg11: memref<!tpu.dma_semaphore, #tpu.memory_space<semaphore_mem>>, %arg12: memref<!tpu.dma_semaphore, #tpu.memory_space<semaphore_mem>>, %arg13: memref<!tpu.dma_semaphore, #tpu.memory_space<semaphore_mem>>, %arg14: memref<!tpu.dma_semaphore, #tpu.memory_space<semaphore_mem>>, %arg15: memref<!tpu.dma_semaphore, #tpu.memory_space<semaphore_mem>>, %arg16: memref<!tpu.dma_semaphore, #tpu.memory_space<semaphore_mem>>, %arg17: memref<!tpu.dma_semaphore, #tpu.memory_space<semaphore_mem>>) attributes {dimension_semantics = [#tpu.dimension_semantics<core_parallel>, #tpu.dimension_semantics<subcore_parallel>], iteration_bounds = array<i64: 2, 16>, scalar_prefetch = 0 : i64, scratch_operands = 13 : i64, tpu.core_type = #tpu.core_type<sc_vector_subcore>, window_params = [{transform_indices = #map}, {transform_indices = #map}, {transform_indices = #map1}]} {
    %mul3A = arith.constant 2 : i32
    %mul3A_0 = arith.muli %arg1, %mul3A : i32
    %add3A = arith.addi %mul3A_0, %arg0 : i32
    %mul3A_1 = arith.constant 128 : i32
    %mul3A_2 = arith.muli %add3A, %mul3A_1 : i32
    "tpu.region"() ({
      %run_scoped3A = tpu.sem_alloc : memref<!tpu.dma_semaphore, #tpu.memory_space<semaphore_mem>>
      %dma_start3A_74 = arith.constant 0 : i32
      %dma_start3A_75 = tpu.memref_slice %arg2[%mul3A_2, %dma_start3A_74] : memref<4096x200xi32, #tpu.memory_space<hbm>> -> memref<128x200xi32, #tpu.memory_space<hbm>>
      %dma_start3A_76 = arith.constant 0 : i32
      %dma_start3A_77 = tpu.memref_slice %arg2[%mul3A_2, %dma_start3A_76] : memref<4096x200xi32, #tpu.memory_space<hbm>> -> memref<128x200xi32, #tpu.memory_space<hbm>>
      tpu.enqueue_dma source(%dma_start3A_77 : memref<128x200xi32, #tpu.memory_space<hbm>>) target(%arg5 : memref<128x200xi32, #tpu.memory_space<vmem>>) target_semaphore(%run_scoped3A : memref<!tpu.dma_semaphore, #tpu.memory_space<semaphore_mem>>)
      %dma_wait3A_78 = arith.constant 0 : i32
      %dma_wait3A_79 = tpu.memref_slice %arg2[%mul3A_2, %dma_wait3A_78] : memref<4096x200xi32, #tpu.memory_space<hbm>> -> memref<128x200xi32, #tpu.memory_space<hbm>>
      %dma_wait3A_80 = arith.constant 0 : i32
      %dma_wait3A_81 = tpu.memref_slice %arg2[%mul3A_2, %dma_wait3A_80] : memref<4096x200xi32, #tpu.memory_space<hbm>> -> memref<128x200xi32, #tpu.memory_space<hbm>>
      tpu.wait_dma2 semaphore(%run_scoped3A : memref<!tpu.dma_semaphore, #tpu.memory_space<semaphore_mem>>) src(%dma_wait3A_81 : memref<128x200xi32, #tpu.memory_space<hbm>>) dst(%arg5 : memref<128x200xi32, #tpu.memory_space<vmem>>)
      tpu.yield
    }) : () -> ()
    %dma_start3A = arith.constant 0 : i32
    %dma_start3A_3 = arith.constant 0 : i32
    %dma_start3A_4 = tpu.memref_slice %arg5[%dma_start3A, %dma_start3A_3] : memref<128x200xi32, #tpu.memory_space<vmem>> -> memref<1x128xi32, #tpu.memory_space<vmem>>
    %dma_start3A_5 = tpu.memref_squeeze %dma_start3A_4 : memref<1x128xi32, #tpu.memory_space<vmem>> -> memref<128xi32, #tpu.memory_space<vmem>>
    %dma_start3A_6 = arith.constant 0 : i32
    %dma_start3A_7 = arith.constant 0 : i32
    %dma_start3A_8 = tpu.memref_slice %arg3[%dma_start3A_6, %dma_start3A_7] : memref<1000000x64xf32, #tpu.memory_space<hbm>> -> memref<1000000x64xf32, #tpu.memory_space<hbm>>
    tpu.enqueue_indirect_dma source(%dma_start3A_8 : memref<1000000x64xf32, #tpu.memory_space<hbm>>) target(%arg6 : memref<128x64xf32, #tpu.memory_space<vmem>>) offsets(%dma_start3A_5 : memref<128xi32, #tpu.memory_space<vmem>>) semaphore(%arg10 : memref<!tpu.dma_semaphore, #tpu.memory_space<semaphore_mem>>)
    %dma_start3A_9 = arith.constant 0 : i32
    %dma_start3A_10 = arith.constant 128 : i32
    %dma_start3A_11 = tpu.memref_slice %arg5[%dma_start3A_9, %dma_start3A_10] : memref<128x200xi32, #tpu.memory_space<vmem>> -> memref<1x72xi32, #tpu.memory_space<vmem>>
    %dma_start3A_12 = tpu.memref_squeeze %dma_start3A_11 : memref<1x72xi32, #tpu.memory_space<vmem>> -> memref<72xi32, #tpu.memory_space<vmem>>
    %dma_start3A_13 = arith.constant 0 : i32
    %dma_start3A_14 = arith.constant 0 : i32
    %dma_start3A_15 = tpu.memref_slice %arg3[%dma_start3A_13, %dma_start3A_14] : memref<1000000x64xf32, #tpu.memory_space<hbm>> -> memref<1000000x64xf32, #tpu.memory_space<hbm>>
    tpu.enqueue_indirect_dma source(%dma_start3A_15 : memref<1000000x64xf32, #tpu.memory_space<hbm>>) target(%arg7 : memref<72x64xf32, #tpu.memory_space<vmem>>) offsets(%dma_start3A_12 : memref<72xi32, #tpu.memory_space<vmem>>) semaphore(%arg11 : memref<!tpu.dma_semaphore, #tpu.memory_space<semaphore_mem>>)
    %dma_start3A_16 = arith.constant 1 : i32
    %dma_start3A_17 = arith.constant 0 : i32
    %dma_start3A_18 = tpu.memref_slice %arg5[%dma_start3A_16, %dma_start3A_17] : memref<128x200xi32, #tpu.memory_space<vmem>> -> memref<1x128xi32, #tpu.memory_space<vmem>>
    %dma_start3A_19 = tpu.memref_squeeze %dma_start3A_18 : memref<1x128xi32, #tpu.memory_space<vmem>> -> memref<128xi32, #tpu.memory_space<vmem>>
    %dma_start3A_20 = arith.constant 0 : i32
    %dma_start3A_21 = arith.constant 0 : i32
    %dma_start3A_22 = tpu.memref_slice %arg3[%dma_start3A_20, %dma_start3A_21] : memref<1000000x64xf32, #tpu.memory_space<hbm>> -> memref<1000000x64xf32, #tpu.memory_space<hbm>>
    tpu.enqueue_indirect_dma source(%dma_start3A_22 : memref<1000000x64xf32, #tpu.memory_space<hbm>>) target(%arg8 : memref<128x64xf32, #tpu.memory_space<vmem>>) offsets(%dma_start3A_19 : memref<128xi32, #tpu.memory_space<vmem>>) semaphore(%arg12 : memref<!tpu.dma_semaphore, #tpu.memory_space<semaphore_mem>>)
    %dma_start3A_23 = arith.constant 1 : i32
    %dma_start3A_24 = arith.constant 128 : i32
    %dma_start3A_25 = tpu.memref_slice %arg5[%dma_start3A_23, %dma_start3A_24] : memref<128x200xi32, #tpu.memory_space<vmem>> -> memref<1x72xi32, #tpu.memory_space<vmem>>
    %dma_start3A_26 = tpu.memref_squeeze %dma_start3A_25 : memref<1x72xi32, #tpu.memory_space<vmem>> -> memref<72xi32, #tpu.memory_space<vmem>>
    %dma_start3A_27 = arith.constant 0 : i32
    %dma_start3A_28 = arith.constant 0 : i32
    %dma_start3A_29 = tpu.memref_slice %arg3[%dma_start3A_27, %dma_start3A_28] : memref<1000000x64xf32, #tpu.memory_space<hbm>> -> memref<1000000x64xf32, #tpu.memory_space<hbm>>
    tpu.enqueue_indirect_dma source(%dma_start3A_29 : memref<1000000x64xf32, #tpu.memory_space<hbm>>) target(%arg9 : memref<72x64xf32, #tpu.memory_space<vmem>>) offsets(%dma_start3A_26 : memref<72xi32, #tpu.memory_space<vmem>>) semaphore(%arg13 : memref<!tpu.dma_semaphore, #tpu.memory_space<semaphore_mem>>)
    %scan3A = arith.constant 0 : i32
    %scan3A_30 = arith.constant 0 : i32
    %scan3A_31 = arith.constant 64 : i32
    %scan3A_32 = arith.addi %scan3A_30, %scan3A_31 : i32
    %scan3A_33 = arith.constant 1 : i32
    scf.for %scan3A_74 = %scan3A_30 to %scan3A_32 step %scan3A_33  : i32 {
      %mul3A_75 = arith.constant 4 : i32
      %mul3A_76 = arith.muli %scan3A_74, %mul3A_75 : i32
      %add3A_77 = arith.constant 0 : i32
      %add3A_78 = arith.addi %mul3A_76, %add3A_77 : i32
      %jit3A = arith.constant 2 : i32
      %div3A = arith.divsi %add3A_78, %jit3A : i32
      %sign3A = arith.constant 0 : i32
      %sign3A_79 = arith.cmpi sgt, %add3A_78, %sign3A : i32
      %sign3A_80 = arith.extui %sign3A_79 : i1 to i32
      %sign3A_81 = arith.constant 0 : i32
      %sign3A_82 = arith.cmpi slt, %add3A_78, %sign3A_81 : i32
      %sign3A_83 = arith.extui %sign3A_82 : i1 to i32
      %sign3A_84 = arith.subi %sign3A_80, %sign3A_83 : i32
      %sign3A_85 = arith.constant 0 : i32
      %sign3A_86 = arith.cmpi sgt, %jit3A, %sign3A_85 : i32
      %sign3A_87 = arith.extui %sign3A_86 : i1 to i32
      %sign3A_88 = arith.constant 0 : i32
      %sign3A_89 = arith.cmpi slt, %jit3A, %sign3A_88 : i32
      %sign3A_90 = arith.extui %sign3A_89 : i1 to i32
      %sign3A_91 = arith.subi %sign3A_87, %sign3A_90 : i32
      %ne3A = arith.cmpi ne, %sign3A_84, %sign3A_91 : i32
      %rem3A = arith.remsi %add3A_78, %jit3A : i32
      %ne3A_92 = arith.constant 0 : i32
      %ne3A_93 = arith.cmpi ne, %rem3A, %ne3A_92 : i32
      %and3A = arith.andi %ne3A, %ne3A_93 : i1
      %sub3A = arith.constant 1 : i32
      %sub3A_94 = arith.subi %div3A, %sub3A : i32
      %select_n3A = arith.select %and3A, %sub3A_94, %div3A : i32
      %dma_wait3A_95 = arith.constant 0 : i32
      %dma_wait3A_96 = tpu.memref_slice %arg5[%select_n3A, %dma_wait3A_95] : memref<128x200xi32, #tpu.memory_space<vmem>> -> memref<1x128xi32, #tpu.memory_space<vmem>>
      %dma_wait3A_97 = tpu.memref_squeeze %dma_wait3A_96 : memref<1x128xi32, #tpu.memory_space<vmem>> -> memref<128xi32, #tpu.memory_space<vmem>>
      %dma_wait3A_98 = arith.constant 0 : i32
      %dma_wait3A_99 = arith.constant 0 : i32
      %dma_wait3A_100 = tpu.memref_slice %arg3[%dma_wait3A_98, %dma_wait3A_99] : memref<1000000x64xf32, #tpu.memory_space<hbm>> -> memref<1000000x64xf32, #tpu.memory_space<hbm>>
      tpu.wait_indirect_dma semaphore(%arg10 : memref<!tpu.dma_semaphore, #tpu.memory_space<semaphore_mem>>) src(%dma_wait3A_100 : memref<1000000x64xf32, #tpu.memory_space<hbm>>) dst(%arg6 : memref<128x64xf32, #tpu.memory_space<vmem>>)
      %parallel_loop3A = arith.constant 0 : i32
      %parallel_loop3A_101 = arith.constant 128 : i32
      %parallel_loop3A_102 = arith.constant 1 : i32
      scf.for %parallel_loop3A_344 = %parallel_loop3A to %parallel_loop3A_101 step %parallel_loop3A_102  : i32 {
        %parallel_loop3A_345 = arith.index_cast %parallel_loop3A_344 : i32 to index
        %parallel_loop3A_346 = arith.constant 0 : index
        %parallel_loop3A_347 = tpu.vector_load %arg6[%parallel_loop3A_345, %parallel_loop3A_346] {strides = array<i32>} : memref<128x64xf32, #tpu.memory_space<vmem>>, vector<1x16xf32>,
        %parallel_loop3A_348 = vector.shape_cast %parallel_loop3A_347 : vector<1x16xf32> to vector<16xf32>
        %parallel_loop3A_349 = arith.constant 8.000000e+00 : f32
        %parallel_loop3A_350 = vector.broadcast %parallel_loop3A_349 : f32 to vector<16xf32>
        %parallel_loop3A_351 = arith.mulf %parallel_loop3A_348, %parallel_loop3A_350 : vector<16xf32>
        %parallel_loop3A_352 = arith.index_cast %parallel_loop3A_344 : i32 to index
        %parallel_loop3A_353 = arith.constant 0 : index
        %parallel_loop3A_354 = tpu.vector_load %arg6[%parallel_loop3A_352, %parallel_loop3A_353] {strides = array<i32>} : memref<128x64xf32, #tpu.memory_space<vmem>>, vector<1x16xf32>,
        %parallel_loop3A_355 = vector.shape_cast %parallel_loop3A_354 : vector<1x16xf32> to vector<16xf32>
        %parallel_loop3A_356 = vector.shape_cast %parallel_loop3A_351 : vector<16xf32> to vector<1x16xf32>
        tpu.vector_store %arg6[%parallel_loop3A_352, %parallel_loop3A_353], %parallel_loop3A_356 {strides = array<i32>} : memref<128x64xf32, #tpu.memory_space<vmem>>, vector<1x16xf32>,
        %parallel_loop3A_357 = arith.index_cast %parallel_loop3A_344 : i32 to index
        %parallel_loop3A_358 = arith.constant 16 : index
        %parallel_loop3A_359 = tpu.vector_load %arg6[%parallel_loop3A_357, %parallel_loop3A_358] {strides = array<i32>} : memref<128x64xf32, #tpu.memory_space<vmem>>, vector<1x16xf32>,
        %parallel_loop3A_360 = vector.shape_cast %parallel_loop3A_359 : vector<1x16xf32> to vector<16xf32>
        %parallel_loop3A_361 = arith.constant 8.000000e+00 : f32
        %parallel_loop3A_362 = vector.broadcast %parallel_loop3A_361 : f32 to vector<16xf32>
        %parallel_loop3A_363 = arith.mulf %parallel_loop3A_360, %parallel_loop3A_362 : vector<16xf32>
        %parallel_loop3A_364 = arith.index_cast %parallel_loop3A_344 : i32 to index
        %parallel_loop3A_365 = arith.constant 16 : index
        %parallel_loop3A_366 = tpu.vector_load %arg6[%parallel_loop3A_364, %parallel_loop3A_365] {strides = array<i32>} : memref<128x64xf32, #tpu.memory_space<vmem>>, vector<1x16xf32>,
        %parallel_loop3A_367 = vector.shape_cast %parallel_loop3A_366 : vector<1x16xf32> to vector<16xf32>
        %parallel_loop3A_368 = vector.shape_cast %parallel_loop3A_363 : vector<16xf32> to vector<1x16xf32>
        tpu.vector_store %arg6[%parallel_loop3A_364, %parallel_loop3A_365], %parallel_loop3A_368 {strides = array<i32>} : memref<128x64xf32, #tpu.memory_space<vmem>>, vector<1x16xf32>,
        %parallel_loop3A_369 = arith.index_cast %parallel_loop3A_344 : i32 to index
        %parallel_loop3A_370 = arith.constant 32 : index
        %parallel_loop3A_371 = tpu.vector_load %arg6[%parallel_loop3A_369, %parallel_loop3A_370] {strides = array<i32>} : memref<128x64xf32, #tpu.memory_space<vmem>>, vector<1x16xf32>,
        %parallel_loop3A_372 = vector.shape_cast %parallel_loop3A_371 : vector<1x16xf32> to vector<16xf32>
        %parallel_loop3A_373 = arith.constant 8.000000e+00 : f32
        %parallel_loop3A_374 = vector.broadcast %parallel_loop3A_373 : f32 to vector<16xf32>
        %parallel_loop3A_375 = arith.mulf %parallel_loop3A_372, %parallel_loop3A_374 : vector<16xf32>
        %parallel_loop3A_376 = arith.index_cast %parallel_loop3A_344 : i32 to index
        %parallel_loop3A_377 = arith.constant 32 : index
        %parallel_loop3A_378 = tpu.vector_load %arg6[%parallel_loop3A_376, %parallel_loop3A_377] {strides = array<i32>} : memref<128x64xf32, #tpu.memory_space<vmem>>, vector<1x16xf32>,
        %parallel_loop3A_379 = vector.shape_cast %parallel_loop3A_378 : vector<1x16xf32> to vector<16xf32>
        %parallel_loop3A_380 = vector.shape_cast %parallel_loop3A_375 : vector<16xf32> to vector<1x16xf32>
        tpu.vector_store %arg6[%parallel_loop3A_376, %parallel_loop3A_377], %parallel_loop3A_380 {strides = array<i32>} : memref<128x64xf32, #tpu.memory_space<vmem>>, vector<1x16xf32>,
        %parallel_loop3A_381 = arith.index_cast %parallel_loop3A_344 : i32 to index
        %parallel_loop3A_382 = arith.constant 48 : index
        %parallel_loop3A_383 = tpu.vector_load %arg6[%parallel_loop3A_381, %parallel_loop3A_382] {strides = array<i32>} : memref<128x64xf32, #tpu.memory_space<vmem>>, vector<1x16xf32>,
        %parallel_loop3A_384 = vector.shape_cast %parallel_loop3A_383 : vector<1x16xf32> to vector<16xf32>
        %parallel_loop3A_385 = arith.constant 8.000000e+00 : f32
        %parallel_loop3A_386 = vector.broadcast %parallel_loop3A_385 : f32 to vector<16xf32>
        %parallel_loop3A_387 = arith.mulf %parallel_loop3A_384, %parallel_loop3A_386 : vector<16xf32>
        %parallel_loop3A_388 = arith.index_cast %parallel_loop3A_344 : i32 to index
        %parallel_loop3A_389 = arith.constant 48 : index
        %parallel_loop3A_390 = tpu.vector_load %arg6[%parallel_loop3A_388, %parallel_loop3A_389] {strides = array<i32>} : memref<128x64xf32, #tpu.memory_space<vmem>>, vector<1x16xf32>,
        %parallel_loop3A_391 = vector.shape_cast %parallel_loop3A_390 : vector<1x16xf32> to vector<16xf32>
        %parallel_loop3A_392 = vector.shape_cast %parallel_loop3A_387 : vector<16xf32> to vector<1x16xf32>
        tpu.vector_store %arg6[%parallel_loop3A_388, %parallel_loop3A_389], %parallel_loop3A_392 {strides = array<i32>} : memref<128x64xf32, #tpu.memory_space<vmem>>, vector<1x16xf32>,
      } {sc.loop_unroll_factor = 8 : i64, sc.parallel_access}
      %jit3A_103 = arith.constant 2 : i32
      %div3A_104 = arith.divsi %add3A_78, %jit3A_103 : i32
      %sign3A_105 = arith.constant 0 : i32
      %sign3A_106 = arith.cmpi sgt, %add3A_78, %sign3A_105 : i32
      %sign3A_107 = arith.extui %sign3A_106 : i1 to i32
      %sign3A_108 = arith.constant 0 : i32
      %sign3A_109 = arith.cmpi slt, %add3A_78, %sign3A_108 : i32
      %sign3A_110 = arith.extui %sign3A_109 : i1 to i32
      %sign3A_111 = arith.subi %sign3A_107, %sign3A_110 : i32
      %sign3A_112 = arith.constant 0 : i32
      %sign3A_113 = arith.cmpi sgt, %jit3A_103, %sign3A_112 : i32
      %sign3A_114 = arith.extui %sign3A_113 : i1 to i32
      %sign3A_115 = arith.constant 0 : i32
      %sign3A_116 = arith.cmpi slt, %jit3A_103, %sign3A_115 : i32
      %sign3A_117 = arith.extui %sign3A_116 : i1 to i32
      %sign3A_118 = arith.subi %sign3A_114, %sign3A_117 : i32
      %ne3A_119 = arith.cmpi ne, %sign3A_111, %sign3A_118 : i32
      %rem3A_120 = arith.remsi %add3A_78, %jit3A_103 : i32
      %ne3A_121 = arith.constant 0 : i32
      %ne3A_122 = arith.cmpi ne, %rem3A_120, %ne3A_121 : i32
      %and3A_123 = arith.andi %ne3A_119, %ne3A_122 : i1
      %sub3A_124 = arith.constant 1 : i32
      %sub3A_125 = arith.subi %div3A_104, %sub3A_124 : i32
      %select_n3A_126 = arith.select %and3A_123, %sub3A_125, %div3A_104 : i32
      %add3A_127 = arith.addi %mul3A_2, %select_n3A_126 : i32
      %dma_start3A_128 = arith.constant 0 : i32
      %dma_start3A_129 = arith.constant 0 : i32
      %dma_start3A_130 = tpu.memref_slice %arg4[%add3A_127, %dma_start3A_128, %dma_start3A_129] : memref<4096x200x64xf32, #tpu.memory_space<hbm>> -> memref<1x128x64xf32, #tpu.memory_space<hbm>>
      %dma_start3A_131 = tpu.memref_squeeze %dma_start3A_130 : memref<1x128x64xf32, #tpu.memory_space<hbm>> -> memref<128x64xf32, #tpu.memory_space<hbm>>
      %dma_start3A_132 = arith.constant 0 : i32
      %dma_start3A_133 = arith.constant 0 : i32
      %dma_start3A_134 = tpu.memref_slice %arg4[%add3A_127, %dma_start3A_132, %dma_start3A_133] : memref<4096x200x64xf32, #tpu.memory_space<hbm>> -> memref<1x128x64xf32, #tpu.memory_space<hbm>>
      %dma_start3A_135 = tpu.memref_squeeze %dma_start3A_134 : memref<1x128x64xf32, #tpu.memory_space<hbm>> -> memref<128x64xf32, #tpu.memory_space<hbm>>
      tpu.enqueue_dma source(%arg6 : memref<128x64xf32, #tpu.memory_space<vmem>>) target(%dma_start3A_135 : memref<128x64xf32, #tpu.memory_space<hbm>>) target_semaphore(%arg14 : memref<!tpu.dma_semaphore, #tpu.memory_space<semaphore_mem>>)
      %add3A_136 = arith.constant 1 : i32
      %add3A_137 = arith.addi %mul3A_76, %add3A_136 : i32
      %jit3A_138 = arith.constant 2 : i32
      %div3A_139 = arith.divsi %add3A_137, %jit3A_138 : i32
      %sign3A_140 = arith.constant 0 : i32
      %sign3A_141 = arith.cmpi sgt, %add3A_137, %sign3A_140 : i32
      %sign3A_142 = arith.extui %sign3A_141 : i1 to i32
      %sign3A_143 = arith.constant 0 : i32
      %sign3A_144 = arith.cmpi slt, %add3A_137, %sign3A_143 : i32
      %sign3A_145 = arith.extui %sign3A_144 : i1 to i32
      %sign3A_146 = arith.subi %sign3A_142, %sign3A_145 : i32
      %sign3A_147 = arith.constant 0 : i32
      %sign3A_148 = arith.cmpi sgt, %jit3A_138, %sign3A_147 : i32
      %sign3A_149 = arith.extui %sign3A_148 : i1 to i32
      %sign3A_150 = arith.constant 0 : i32
      %sign3A_151 = arith.cmpi slt, %jit3A_138, %sign3A_150 : i32
      %sign3A_152 = arith.extui %sign3A_151 : i1 to i32
      %sign3A_153 = arith.subi %sign3A_149, %sign3A_152 : i32
      %ne3A_154 = arith.cmpi ne, %sign3A_146, %sign3A_153 : i32
      %rem3A_155 = arith.remsi %add3A_137, %jit3A_138 : i32
      %ne3A_156 = arith.constant 0 : i32
      %ne3A_157 = arith.cmpi ne, %rem3A_155, %ne3A_156 : i32
      %and3A_158 = arith.andi %ne3A_154, %ne3A_157 : i1
      %sub3A_159 = arith.constant 1 : i32
      %sub3A_160 = arith.subi %div3A_139, %sub3A_159 : i32
      %select_n3A_161 = arith.select %and3A_158, %sub3A_160, %div3A_139 : i32
      %dma_wait3A_162 = arith.constant 128 : i32
      %dma_wait3A_163 = tpu.memref_slice %arg5[%select_n3A_161, %dma_wait3A_162] : memref<128x200xi32, #tpu.memory_space<vmem>> -> memref<1x72xi32, #tpu.memory_space<vmem>>
      %dma_wait3A_164 = tpu.memref_squeeze %dma_wait3A_163 : memref<1x72xi32, #tpu.memory_space<vmem>> -> memref<72xi32, #tpu.memory_space<vmem>>
      %dma_wait3A_165 = arith.constant 0 : i32
      %dma_wait3A_166 = arith.constant 0 : i32
      %dma_wait3A_167 = tpu.memref_slice %arg3[%dma_wait3A_165, %dma_wait3A_166] : memref<1000000x64xf32, #tpu.memory_space<hbm>> -> memref<1000000x64xf32, #tpu.memory_space<hbm>>
      tpu.wait_indirect_dma semaphore(%arg11 : memref<!tpu.dma_semaphore, #tpu.memory_space<semaphore_mem>>) src(%dma_wait3A_167 : memref<1000000x64xf32, #tpu.memory_space<hbm>>) dst(%arg7 : memref<72x64xf32, #tpu.memory_space<vmem>>)
      %parallel_loop3A_168 = arith.constant 0 : i32
      %parallel_loop3A_169 = arith.constant 72 : i32
      %parallel_loop3A_170 = arith.constant 1 : i32
      scf.for %parallel_loop3A_344 = %parallel_loop3A_168 to %parallel_loop3A_169 step %parallel_loop3A_170  : i32 {
        %parallel_loop3A_345 = arith.index_cast %parallel_loop3A_344 : i32 to index
        %parallel_loop3A_346 = arith.constant 0 : index
        %parallel_loop3A_347 = tpu.vector_load %arg7[%parallel_loop3A_345, %parallel_loop3A_346] {strides = array<i32>} : memref<72x64xf32, #tpu.memory_space<vmem>>, vector<1x16xf32>,
        %parallel_loop3A_348 = vector.shape_cast %parallel_loop3A_347 : vector<1x16xf32> to vector<16xf32>
        %parallel_loop3A_349 = arith.constant 8.000000e+00 : f32
        %parallel_loop3A_350 = vector.broadcast %parallel_loop3A_349 : f32 to vector<16xf32>
        %parallel_loop3A_351 = arith.mulf %parallel_loop3A_348, %parallel_loop3A_350 : vector<16xf32>
        %parallel_loop3A_352 = arith.index_cast %parallel_loop3A_344 : i32 to index
        %parallel_loop3A_353 = arith.constant 0 : index
        %parallel_loop3A_354 = tpu.vector_load %arg7[%parallel_loop3A_352, %parallel_loop3A_353] {strides = array<i32>} : memref<72x64xf32, #tpu.memory_space<vmem>>, vector<1x16xf32>,
        %parallel_loop3A_355 = vector.shape_cast %parallel_loop3A_354 : vector<1x16xf32> to vector<16xf32>
        %parallel_loop3A_356 = vector.shape_cast %parallel_loop3A_351 : vector<16xf32> to vector<1x16xf32>
        tpu.vector_store %arg7[%parallel_loop3A_352, %parallel_loop3A_353], %parallel_loop3A_356 {strides = array<i32>} : memref<72x64xf32, #tpu.memory_space<vmem>>, vector<1x16xf32>,
        %parallel_loop3A_357 = arith.index_cast %parallel_loop3A_344 : i32 to index
        %parallel_loop3A_358 = arith.constant 16 : index
        %parallel_loop3A_359 = tpu.vector_load %arg7[%parallel_loop3A_357, %parallel_loop3A_358] {strides = array<i32>} : memref<72x64xf32, #tpu.memory_space<vmem>>, vector<1x16xf32>,
        %parallel_loop3A_360 = vector.shape_cast %parallel_loop3A_359 : vector<1x16xf32> to vector<16xf32>
        %parallel_loop3A_361 = arith.constant 8.000000e+00 : f32
        %parallel_loop3A_362 = vector.broadcast %parallel_loop3A_361 : f32 to vector<16xf32>
        %parallel_loop3A_363 = arith.mulf %parallel_loop3A_360, %parallel_loop3A_362 : vector<16xf32>
        %parallel_loop3A_364 = arith.index_cast %parallel_loop3A_344 : i32 to index
        %parallel_loop3A_365 = arith.constant 16 : index
        %parallel_loop3A_366 = tpu.vector_load %arg7[%parallel_loop3A_364, %parallel_loop3A_365] {strides = array<i32>} : memref<72x64xf32, #tpu.memory_space<vmem>>, vector<1x16xf32>,
        %parallel_loop3A_367 = vector.shape_cast %parallel_loop3A_366 : vector<1x16xf32> to vector<16xf32>
        %parallel_loop3A_368 = vector.shape_cast %parallel_loop3A_363 : vector<16xf32> to vector<1x16xf32>
        tpu.vector_store %arg7[%parallel_loop3A_364, %parallel_loop3A_365], %parallel_loop3A_368 {strides = array<i32>} : memref<72x64xf32, #tpu.memory_space<vmem>>, vector<1x16xf32>,
        %parallel_loop3A_369 = arith.index_cast %parallel_loop3A_344 : i32 to index
        %parallel_loop3A_370 = arith.constant 32 : index
        %parallel_loop3A_371 = tpu.vector_load %arg7[%parallel_loop3A_369, %parallel_loop3A_370] {strides = array<i32>} : memref<72x64xf32, #tpu.memory_space<vmem>>, vector<1x16xf32>,
        %parallel_loop3A_372 = vector.shape_cast %parallel_loop3A_371 : vector<1x16xf32> to vector<16xf32>
        %parallel_loop3A_373 = arith.constant 8.000000e+00 : f32
        %parallel_loop3A_374 = vector.broadcast %parallel_loop3A_373 : f32 to vector<16xf32>
        %parallel_loop3A_375 = arith.mulf %parallel_loop3A_372, %parallel_loop3A_374 : vector<16xf32>
        %parallel_loop3A_376 = arith.index_cast %parallel_loop3A_344 : i32 to index
        %parallel_loop3A_377 = arith.constant 32 : index
        %parallel_loop3A_378 = tpu.vector_load %arg7[%parallel_loop3A_376, %parallel_loop3A_377] {strides = array<i32>} : memref<72x64xf32, #tpu.memory_space<vmem>>, vector<1x16xf32>,
        %parallel_loop3A_379 = vector.shape_cast %parallel_loop3A_378 : vector<1x16xf32> to vector<16xf32>
        %parallel_loop3A_380 = vector.shape_cast %parallel_loop3A_375 : vector<16xf32> to vector<1x16xf32>
        tpu.vector_store %arg7[%parallel_loop3A_376, %parallel_loop3A_377], %parallel_loop3A_380 {strides = array<i32>} : memref<72x64xf32, #tpu.memory_space<vmem>>, vector<1x16xf32>,
        %parallel_loop3A_381 = arith.index_cast %parallel_loop3A_344 : i32 to index
        %parallel_loop3A_382 = arith.constant 48 : index
        %parallel_loop3A_383 = tpu.vector_load %arg7[%parallel_loop3A_381, %parallel_loop3A_382] {strides = array<i32>} : memref<72x64xf32, #tpu.memory_space<vmem>>, vector<1x16xf32>,
        %parallel_loop3A_384 = vector.shape_cast %parallel_loop3A_383 : vector<1x16xf32> to vector<16xf32>
        %parallel_loop3A_385 = arith.constant 8.000000e+00 : f32
        %parallel_loop3A_386 = vector.broadcast %parallel_loop3A_385 : f32 to vector<16xf32>
        %parallel_loop3A_387 = arith.mulf %parallel_loop3A_384, %parallel_loop3A_386 : vector<16xf32>
        %parallel_loop3A_388 = arith.index_cast %parallel_loop3A_344 : i32 to index
        %parallel_loop3A_389 = arith.constant 48 : index
        %parallel_loop3A_390 = tpu.vector_load %arg7[%parallel_loop3A_388, %parallel_loop3A_389] {strides = array<i32>} : memref<72x64xf32, #tpu.memory_space<vmem>>, vector<1x16xf32>,
        %parallel_loop3A_391 = vector.shape_cast %parallel_loop3A_390 : vector<1x16xf32> to vector<16xf32>
        %parallel_loop3A_392 = vector.shape_cast %parallel_loop3A_387 : vector<16xf32> to vector<1x16xf32>
        tpu.vector_store %arg7[%parallel_loop3A_388, %parallel_loop3A_389], %parallel_loop3A_392 {strides = array<i32>} : memref<72x64xf32, #tpu.memory_space<vmem>>, vector<1x16xf32>,
      } {sc.loop_unroll_factor = 8 : i64, sc.parallel_access}
      %jit3A_171 = arith.constant 2 : i32
      %div3A_172 = arith.divsi %add3A_137, %jit3A_171 : i32
      %sign3A_173 = arith.constant 0 : i32
      %sign3A_174 = arith.cmpi sgt, %add3A_137, %sign3A_173 : i32
      %sign3A_175 = arith.extui %sign3A_174 : i1 to i32
      %sign3A_176 = arith.constant 0 : i32
      %sign3A_177 = arith.cmpi slt, %add3A_137, %sign3A_176 : i32
      %sign3A_178 = arith.extui %sign3A_177 : i1 to i32
      %sign3A_179 = arith.subi %sign3A_175, %sign3A_178 : i32
      %sign3A_180 = arith.constant 0 : i32
      %sign3A_181 = arith.cmpi sgt, %jit3A_171, %sign3A_180 : i32
      %sign3A_182 = arith.extui %sign3A_181 : i1 to i32
      %sign3A_183 = arith.constant 0 : i32
      %sign3A_184 = arith.cmpi slt, %jit3A_171, %sign3A_183 : i32
      %sign3A_185 = arith.extui %sign3A_184 : i1 to i32
      %sign3A_186 = arith.subi %sign3A_182, %sign3A_185 : i32
      %ne3A_187 = arith.cmpi ne, %sign3A_179, %sign3A_186 : i32
      %rem3A_188 = arith.remsi %add3A_137, %jit3A_171 : i32
      %ne3A_189 = arith.constant 0 : i32
      %ne3A_190 = arith.cmpi ne, %rem3A_188, %ne3A_189 : i32
      %and3A_191 = arith.andi %ne3A_187, %ne3A_190 : i1
      %sub3A_192 = arith.constant 1 : i32
      %sub3A_193 = arith.subi %div3A_172, %sub3A_192 : i32
      %select_n3A_194 = arith.select %and3A_191, %sub3A_193, %div3A_172 : i32
      %add3A_195 = arith.addi %mul3A_2, %select_n3A_194 : i32
      %dma_start3A_196 = arith.constant 128 : i32
      %dma_start3A_197 = arith.constant 0 : i32
      %dma_start3A_198 = tpu.memref_slice %arg4[%add3A_195, %dma_start3A_196, %dma_start3A_197] : memref<4096x200x64xf32, #tpu.memory_space<hbm>> -> memref<1x72x64xf32, #tpu.memory_space<hbm>>
      %dma_start3A_199 = tpu.memref_squeeze %dma_start3A_198 : memref<1x72x64xf32, #tpu.memory_space<hbm>> -> memref<72x64xf32, #tpu.memory_space<hbm>>
      %dma_start3A_200 = arith.constant 128 : i32
      %dma_start3A_201 = arith.constant 0 : i32
      %dma_start3A_202 = tpu.memref_slice %arg4[%add3A_195, %dma_start3A_200, %dma_start3A_201] : memref<4096x200x64xf32, #tpu.memory_space<hbm>> -> memref<1x72x64xf32, #tpu.memory_space<hbm>>
      %dma_start3A_203 = tpu.memref_squeeze %dma_start3A_202 : memref<1x72x64xf32, #tpu.memory_space<hbm>> -> memref<72x64xf32, #tpu.memory_space<hbm>>
      tpu.enqueue_dma source(%arg7 : memref<72x64xf32, #tpu.memory_space<vmem>>) target(%dma_start3A_203 : memref<72x64xf32, #tpu.memory_space<hbm>>) target_semaphore(%arg15 : memref<!tpu.dma_semaphore, #tpu.memory_space<semaphore_mem>>)
      %add3A_204 = arith.constant 2 : i32
      %add3A_205 = arith.addi %mul3A_76, %add3A_204 : i32
      %jit3A_206 = arith.constant 2 : i32
      %div3A_207 = arith.divsi %add3A_205, %jit3A_206 : i32
      %sign3A_208 = arith.constant 0 : i32
      %sign3A_209 = arith.cmpi sgt, %add3A_205, %sign3A_208 : i32
      %sign3A_210 = arith.extui %sign3A_209 : i1 to i32
      %sign3A_211 = arith.constant 0 : i32
      %sign3A_212 = arith.cmpi slt, %add3A_205, %sign3A_211 : i32
      %sign3A_213 = arith.extui %sign3A_212 : i1 to i32
      %sign3A_214 = arith.subi %sign3A_210, %sign3A_213 : i32
      %sign3A_215 = arith.constant 0 : i32
      %sign3A_216 = arith.cmpi sgt, %jit3A_206, %sign3A_215 : i32
      %sign3A_217 = arith.extui %sign3A_216 : i1 to i32
      %sign3A_218 = arith.constant 0 : i32
      %sign3A_219 = arith.cmpi slt, %jit3A_206, %sign3A_218 : i32
      %sign3A_220 = arith.extui %sign3A_219 : i1 to i32
      %sign3A_221 = arith.subi %sign3A_217, %sign3A_220 : i32
      %ne3A_222 = arith.cmpi ne, %sign3A_214, %sign3A_221 : i32
      %rem3A_223 = arith.remsi %add3A_205, %jit3A_206 : i32
      %ne3A_224 = arith.constant 0 : i32
      %ne3A_225 = arith.cmpi ne, %rem3A_223, %ne3A_224 : i32
      %and3A_226 = arith.andi %ne3A_222, %ne3A_225 : i1
      %sub3A_227 = arith.constant 1 : i32
      %sub3A_228 = arith.subi %div3A_207, %sub3A_227 : i32
      %select_n3A_229 = arith.select %and3A_226, %sub3A_228, %div3A_207 : i32
      %dma_wait3A_230 = arith.constant 0 : i32
      %dma_wait3A_231 = tpu.memref_slice %arg5[%select_n3A_229, %dma_wait3A_230] : memref<128x200xi32, #tpu.memory_space<vmem>> -> memref<1x128xi32, #tpu.memory_space<vmem>>
      %dma_wait3A_232 = tpu.memref_squeeze %dma_wait3A_231 : memref<1x128xi32, #tpu.memory_space<vmem>> -> memref<128xi32, #tpu.memory_space<vmem>>
      %dma_wait3A_233 = arith.constant 0 : i32
      %dma_wait3A_234 = arith.constant 0 : i32
      %dma_wait3A_235 = tpu.memref_slice %arg3[%dma_wait3A_233, %dma_wait3A_234] : memref<1000000x64xf32, #tpu.memory_space<hbm>> -> memref<1000000x64xf32, #tpu.memory_space<hbm>>
      tpu.wait_indirect_dma semaphore(%arg12 : memref<!tpu.dma_semaphore, #tpu.memory_space<semaphore_mem>>) src(%dma_wait3A_235 : memref<1000000x64xf32, #tpu.memory_space<hbm>>) dst(%arg8 : memref<128x64xf32, #tpu.memory_space<vmem>>)
      %parallel_loop3A_236 = arith.constant 0 : i32
      %parallel_loop3A_237 = arith.constant 128 : i32
      %parallel_loop3A_238 = arith.constant 1 : i32
      scf.for %parallel_loop3A_344 = %parallel_loop3A_236 to %parallel_loop3A_237 step %parallel_loop3A_238  : i32 {
        %parallel_loop3A_345 = arith.index_cast %parallel_loop3A_344 : i32 to index
        %parallel_loop3A_346 = arith.constant 0 : index
        %parallel_loop3A_347 = tpu.vector_load %arg8[%parallel_loop3A_345, %parallel_loop3A_346] {strides = array<i32>} : memref<128x64xf32, #tpu.memory_space<vmem>>, vector<1x16xf32>,
        %parallel_loop3A_348 = vector.shape_cast %parallel_loop3A_347 : vector<1x16xf32> to vector<16xf32>
        %parallel_loop3A_349 = arith.constant 8.000000e+00 : f32
        %parallel_loop3A_350 = vector.broadcast %parallel_loop3A_349 : f32 to vector<16xf32>
        %parallel_loop3A_351 = arith.mulf %parallel_loop3A_348, %parallel_loop3A_350 : vector<16xf32>
        %parallel_loop3A_352 = arith.index_cast %parallel_loop3A_344 : i32 to index
        %parallel_loop3A_353 = arith.constant 0 : index
        %parallel_loop3A_354 = tpu.vector_load %arg8[%parallel_loop3A_352, %parallel_loop3A_353] {strides = array<i32>} : memref<128x64xf32, #tpu.memory_space<vmem>>, vector<1x16xf32>,
        %parallel_loop3A_355 = vector.shape_cast %parallel_loop3A_354 : vector<1x16xf32> to vector<16xf32>
        %parallel_loop3A_356 = vector.shape_cast %parallel_loop3A_351 : vector<16xf32> to vector<1x16xf32>
        tpu.vector_store %arg8[%parallel_loop3A_352, %parallel_loop3A_353], %parallel_loop3A_356 {strides = array<i32>} : memref<128x64xf32, #tpu.memory_space<vmem>>, vector<1x16xf32>,
        %parallel_loop3A_357 = arith.index_cast %parallel_loop3A_344 : i32 to index
        %parallel_loop3A_358 = arith.constant 16 : index
        %parallel_loop3A_359 = tpu.vector_load %arg8[%parallel_loop3A_357, %parallel_loop3A_358] {strides = array<i32>} : memref<128x64xf32, #tpu.memory_space<vmem>>, vector<1x16xf32>,
        %parallel_loop3A_360 = vector.shape_cast %parallel_loop3A_359 : vector<1x16xf32> to vector<16xf32>
        %parallel_loop3A_361 = arith.constant 8.000000e+00 : f32
        %parallel_loop3A_362 = vector.broadcast %parallel_loop3A_361 : f32 to vector<16xf32>
        %parallel_loop3A_363 = arith.mulf %parallel_loop3A_360, %parallel_loop3A_362 : vector<16xf32>
        %parallel_loop3A_364 = arith.index_cast %parallel_loop3A_344 : i32 to index
        %parallel_loop3A_365 = arith.constant 16 : index
        %parallel_loop3A_366 = tpu.vector_load %arg8[%parallel_loop3A_364, %parallel_loop3A_365] {strides = array<i32>} : memref<128x64xf32, #tpu.memory_space<vmem>>, vector<1x16xf32>,
        %parallel_loop3A_367 = vector.shape_cast %parallel_loop3A_366 : vector<1x16xf32> to vector<16xf32>
        %parallel_loop3A_368 = vector.shape_cast %parallel_loop3A_363 : vector<16xf32> to vector<1x16xf32>
        tpu.vector_store %arg8[%parallel_loop3A_364, %parallel_loop3A_365], %parallel_loop3A_368 {strides = array<i32>} : memref<128x64xf32, #tpu.memory_space<vmem>>, vector<1x16xf32>,
        %parallel_loop3A_369 = arith.index_cast %parallel_loop3A_344 : i32 to index
        %parallel_loop3A_370 = arith.constant 32 : index
        %parallel_loop3A_371 = tpu.vector_load %arg8[%parallel_loop3A_369, %parallel_loop3A_370] {strides = array<i32>} : memref<128x64xf32, #tpu.memory_space<vmem>>, vector<1x16xf32>,
        %parallel_loop3A_372 = vector.shape_cast %parallel_loop3A_371 : vector<1x16xf32> to vector<16xf32>
        %parallel_loop3A_373 = arith.constant 8.000000e+00 : f32
        %parallel_loop3A_374 = vector.broadcast %parallel_loop3A_373 : f32 to vector<16xf32>
        %parallel_loop3A_375 = arith.mulf %parallel_loop3A_372, %parallel_loop3A_374 : vector<16xf32>
        %parallel_loop3A_376 = arith.index_cast %parallel_loop3A_344 : i32 to index
        %parallel_loop3A_377 = arith.constant 32 : index
        %parallel_loop3A_378 = tpu.vector_load %arg8[%parallel_loop3A_376, %parallel_loop3A_377] {strides = array<i32>} : memref<128x64xf32, #tpu.memory_space<vmem>>, vector<1x16xf32>,
        %parallel_loop3A_379 = vector.shape_cast %parallel_loop3A_378 : vector<1x16xf32> to vector<16xf32>
        %parallel_loop3A_380 = vector.shape_cast %parallel_loop3A_375 : vector<16xf32> to vector<1x16xf32>
        tpu.vector_store %arg8[%parallel_loop3A_376, %parallel_loop3A_377], %parallel_loop3A_380 {strides = array<i32>} : memref<128x64xf32, #tpu.memory_space<vmem>>, vector<1x16xf32>,
        %parallel_loop3A_381 = arith.index_cast %parallel_loop3A_344 : i32 to index
        %parallel_loop3A_382 = arith.constant 48 : index
        %parallel_loop3A_383 = tpu.vector_load %arg8[%parallel_loop3A_381, %parallel_loop3A_382] {strides = array<i32>} : memref<128x64xf32, #tpu.memory_space<vmem>>, vector<1x16xf32>,
        %parallel_loop3A_384 = vector.shape_cast %parallel_loop3A_383 : vector<1x16xf32> to vector<16xf32>
        %parallel_loop3A_385 = arith.constant 8.000000e+00 : f32
        %parallel_loop3A_386 = vector.broadcast %parallel_loop3A_385 : f32 to vector<16xf32>
        %parallel_loop3A_387 = arith.mulf %parallel_loop3A_384, %parallel_loop3A_386 : vector<16xf32>
        %parallel_loop3A_388 = arith.index_cast %parallel_loop3A_344 : i32 to index
        %parallel_loop3A_389 = arith.constant 48 : index
        %parallel_loop3A_390 = tpu.vector_load %arg8[%parallel_loop3A_388, %parallel_loop3A_389] {strides = array<i32>} : memref<128x64xf32, #tpu.memory_space<vmem>>, vector<1x16xf32>,
        %parallel_loop3A_391 = vector.shape_cast %parallel_loop3A_390 : vector<1x16xf32> to vector<16xf32>
        %parallel_loop3A_392 = vector.shape_cast %parallel_loop3A_387 : vector<16xf32> to vector<1x16xf32>
        tpu.vector_store %arg8[%parallel_loop3A_388, %parallel_loop3A_389], %parallel_loop3A_392 {strides = array<i32>} : memref<128x64xf32, #tpu.memory_space<vmem>>, vector<1x16xf32>,
      } {sc.loop_unroll_factor = 8 : i64, sc.parallel_access}
      %jit3A_239 = arith.constant 2 : i32
      %div3A_240 = arith.divsi %add3A_205, %jit3A_239 : i32
      %sign3A_241 = arith.constant 0 : i32
      %sign3A_242 = arith.cmpi sgt, %add3A_205, %sign3A_241 : i32
      %sign3A_243 = arith.extui %sign3A_242 : i1 to i32
      %sign3A_244 = arith.constant 0 : i32
      %sign3A_245 = arith.cmpi slt, %add3A_205, %sign3A_244 : i32
      %sign3A_246 = arith.extui %sign3A_245 : i1 to i32
      %sign3A_247 = arith.subi %sign3A_243, %sign3A_246 : i32
      %sign3A_248 = arith.constant 0 : i32
      %sign3A_249 = arith.cmpi sgt, %jit3A_239, %sign3A_248 : i32
      %sign3A_250 = arith.extui %sign3A_249 : i1 to i32
      %sign3A_251 = arith.constant 0 : i32
      %sign3A_252 = arith.cmpi slt, %jit3A_239, %sign3A_251 : i32
      %sign3A_253 = arith.extui %sign3A_252 : i1 to i32
      %sign3A_254 = arith.subi %sign3A_250, %sign3A_253 : i32
      %ne3A_255 = arith.cmpi ne, %sign3A_247, %sign3A_254 : i32
      %rem3A_256 = arith.remsi %add3A_205, %jit3A_239 : i32
      %ne3A_257 = arith.constant 0 : i32
      %ne3A_258 = arith.cmpi ne, %rem3A_256, %ne3A_257 : i32
      %and3A_259 = arith.andi %ne3A_255, %ne3A_258 : i1
      %sub3A_260 = arith.constant 1 : i32
      %sub3A_261 = arith.subi %div3A_240, %sub3A_260 : i32
      %select_n3A_262 = arith.select %and3A_259, %sub3A_261, %div3A_240 : i32
      %add3A_263 = arith.addi %mul3A_2, %select_n3A_262 : i32
      %dma_start3A_264 = arith.constant 0 : i32
      %dma_start3A_265 = arith.constant 0 : i32
      %dma_start3A_266 = tpu.memref_slice %arg4[%add3A_263, %dma_start3A_264, %dma_start3A_265] : memref<4096x200x64xf32, #tpu.memory_space<hbm>> -> memref<1x128x64xf32, #tpu.memory_space<hbm>>
      %dma_start3A_267 = tpu.memref_squeeze %dma_start3A_266 : memref<1x128x64xf32, #tpu.memory_space<hbm>> -> memref<128x64xf32, #tpu.memory_space<hbm>>
      %dma_start3A_268 = arith.constant 0 : i32
      %dma_start3A_269 = arith.constant 0 : i32
      %dma_start3A_270 = tpu.memref_slice %arg4[%add3A_263, %dma_start3A_268, %dma_start3A_269] : memref<4096x200x64xf32, #tpu.memory_space<hbm>> -> memref<1x128x64xf32, #tpu.memory_space<hbm>>
      %dma_start3A_271 = tpu.memref_squeeze %dma_start3A_270 : memref<1x128x64xf32, #tpu.memory_space<hbm>> -> memref<128x64xf32, #tpu.memory_space<hbm>>
      tpu.enqueue_dma source(%arg8 : memref<128x64xf32, #tpu.memory_space<vmem>>) target(%dma_start3A_271 : memref<128x64xf32, #tpu.memory_space<hbm>>) target_semaphore(%arg16 : memref<!tpu.dma_semaphore, #tpu.memory_space<semaphore_mem>>)
      %add3A_272 = arith.constant 3 : i32
      %add3A_273 = arith.addi %mul3A_76, %add3A_272 : i32
      %jit3A_274 = arith.constant 2 : i32
      %div3A_275 = arith.divsi %add3A_273, %jit3A_274 : i32
      %sign3A_276 = arith.constant 0 : i32
      %sign3A_277 = arith.cmpi sgt, %add3A_273, %sign3A_276 : i32
      %sign3A_278 = arith.extui %sign3A_277 : i1 to i32
      %sign3A_279 = arith.constant 0 : i32
      %sign3A_280 = arith.cmpi slt, %add3A_273, %sign3A_279 : i32
      %sign3A_281 = arith.extui %sign3A_280 : i1 to i32
      %sign3A_282 = arith.subi %sign3A_278, %sign3A_281 : i32
      %sign3A_283 = arith.constant 0 : i32
      %sign3A_284 = arith.cmpi sgt, %jit3A_274, %sign3A_283 : i32
      %sign3A_285 = arith.extui %sign3A_284 : i1 to i32
      %sign3A_286 = arith.constant 0 : i32
      %sign3A_287 = arith.cmpi slt, %jit3A_274, %sign3A_286 : i32
      %sign3A_288 = arith.extui %sign3A_287 : i1 to i32
      %sign3A_289 = arith.subi %sign3A_285, %sign3A_288 : i32
      %ne3A_290 = arith.cmpi ne, %sign3A_282, %sign3A_289 : i32
      %rem3A_291 = arith.remsi %add3A_273, %jit3A_274 : i32
      %ne3A_292 = arith.constant 0 : i32
      %ne3A_293 = arith.cmpi ne, %rem3A_291, %ne3A_292 : i32
      %and3A_294 = arith.andi %ne3A_290, %ne3A_293 : i1
      %sub3A_295 = arith.constant 1 : i32
      %sub3A_296 = arith.subi %div3A_275, %sub3A_295 : i32
      %select_n3A_297 = arith.select %and3A_294, %sub3A_296, %div3A_275 : i32
      %dma_wait3A_298 = arith.constant 128 : i32
      %dma_wait3A_299 = tpu.memref_slice %arg5[%select_n3A_297, %dma_wait3A_298] : memref<128x200xi32, #tpu.memory_space<vmem>> -> memref<1x72xi32, #tpu.memory_space<vmem>>
      %dma_wait3A_300 = tpu.memref_squeeze %dma_wait3A_299 : memref<1x72xi32, #tpu.memory_space<vmem>> -> memref<72xi32, #tpu.memory_space<vmem>>
      %dma_wait3A_301 = arith.constant 0 : i32
      %dma_wait3A_302 = arith.constant 0 : i32
      %dma_wait3A_303 = tpu.memref_slice %arg3[%dma_wait3A_301, %dma_wait3A_302] : memref<1000000x64xf32, #tpu.memory_space<hbm>> -> memref<1000000x64xf32, #tpu.memory_space<hbm>>
      tpu.wait_indirect_dma semaphore(%arg13 : memref<!tpu.dma_semaphore, #tpu.memory_space<semaphore_mem>>) src(%dma_wait3A_303 : memref<1000000x64xf32, #tpu.memory_space<hbm>>) dst(%arg9 : memref<72x64xf32, #tpu.memory_space<vmem>>)
      %parallel_loop3A_304 = arith.constant 0 : i32
      %parallel_loop3A_305 = arith.constant 72 : i32
      %parallel_loop3A_306 = arith.constant 1 : i32
      scf.for %parallel_loop3A_344 = %parallel_loop3A_304 to %parallel_loop3A_305 step %parallel_loop3A_306  : i32 {
        %parallel_loop3A_345 = arith.index_cast %parallel_loop3A_344 : i32 to index
        %parallel_loop3A_346 = arith.constant 0 : index
        %parallel_loop3A_347 = tpu.vector_load %arg9[%parallel_loop3A_345, %parallel_loop3A_346] {strides = array<i32>} : memref<72x64xf32, #tpu.memory_space<vmem>>, vector<1x16xf32>,
        %parallel_loop3A_348 = vector.shape_cast %parallel_loop3A_347 : vector<1x16xf32> to vector<16xf32>
        %parallel_loop3A_349 = arith.constant 8.000000e+00 : f32
        %parallel_loop3A_350 = vector.broadcast %parallel_loop3A_349 : f32 to vector<16xf32>
        %parallel_loop3A_351 = arith.mulf %parallel_loop3A_348, %parallel_loop3A_350 : vector<16xf32>
        %parallel_loop3A_352 = arith.index_cast %parallel_loop3A_344 : i32 to index
        %parallel_loop3A_353 = arith.constant 0 : index
        %parallel_loop3A_354 = tpu.vector_load %arg9[%parallel_loop3A_352, %parallel_loop3A_353] {strides = array<i32>} : memref<72x64xf32, #tpu.memory_space<vmem>>, vector<1x16xf32>,
        %parallel_loop3A_355 = vector.shape_cast %parallel_loop3A_354 : vector<1x16xf32> to vector<16xf32>
        %parallel_loop3A_356 = vector.shape_cast %parallel_loop3A_351 : vector<16xf32> to vector<1x16xf32>
        tpu.vector_store %arg9[%parallel_loop3A_352, %parallel_loop3A_353], %parallel_loop3A_356 {strides = array<i32>} : memref<72x64xf32, #tpu.memory_space<vmem>>, vector<1x16xf32>,
        %parallel_loop3A_357 = arith.index_cast %parallel_loop3A_344 : i32 to index
        %parallel_loop3A_358 = arith.constant 16 : index
        %parallel_loop3A_359 = tpu.vector_load %arg9[%parallel_loop3A_357, %parallel_loop3A_358] {strides = array<i32>} : memref<72x64xf32, #tpu.memory_space<vmem>>, vector<1x16xf32>,
        %parallel_loop3A_360 = vector.shape_cast %parallel_loop3A_359 : vector<1x16xf32> to vector<16xf32>
        %parallel_loop3A_361 = arith.constant 8.000000e+00 : f32
        %parallel_loop3A_362 = vector.broadcast %parallel_loop3A_361 : f32 to vector<16xf32>
        %parallel_loop3A_363 = arith.mulf %parallel_loop3A_360, %parallel_loop3A_362 : vector<16xf32>
        %parallel_loop3A_364 = arith.index_cast %parallel_loop3A_344 : i32 to index
        %parallel_loop3A_365 = arith.constant 16 : index
        %parallel_loop3A_366 = tpu.vector_load %arg9[%parallel_loop3A_364, %parallel_loop3A_365] {strides = array<i32>} : memref<72x64xf32, #tpu.memory_space<vmem>>, vector<1x16xf32>,
        %parallel_loop3A_367 = vector.shape_cast %parallel_loop3A_366 : vector<1x16xf32> to vector<16xf32>
        %parallel_loop3A_368 = vector.shape_cast %parallel_loop3A_363 : vector<16xf32> to vector<1x16xf32>
        tpu.vector_store %arg9[%parallel_loop3A_364, %parallel_loop3A_365], %parallel_loop3A_368 {strides = array<i32>} : memref<72x64xf32, #tpu.memory_space<vmem>>, vector<1x16xf32>,
        %parallel_loop3A_369 = arith.index_cast %parallel_loop3A_344 : i32 to index
        %parallel_loop3A_370 = arith.constant 32 : index
        %parallel_loop3A_371 = tpu.vector_load %arg9[%parallel_loop3A_369, %parallel_loop3A_370] {strides = array<i32>} : memref<72x64xf32, #tpu.memory_space<vmem>>, vector<1x16xf32>,
        %parallel_loop3A_372 = vector.shape_cast %parallel_loop3A_371 : vector<1x16xf32> to vector<16xf32>
        %parallel_loop3A_373 = arith.constant 8.000000e+00 : f32
        %parallel_loop3A_374 = vector.broadcast %parallel_loop3A_373 : f32 to vector<16xf32>
        %parallel_loop3A_375 = arith.mulf %parallel_loop3A_372, %parallel_loop3A_374 : vector<16xf32>
        %parallel_loop3A_376 = arith.index_cast %parallel_loop3A_344 : i32 to index
        %parallel_loop3A_377 = arith.constant 32 : index
        %parallel_loop3A_378 = tpu.vector_load %arg9[%parallel_loop3A_376, %parallel_loop3A_377] {strides = array<i32>} : memref<72x64xf32, #tpu.memory_space<vmem>>, vector<1x16xf32>,
        %parallel_loop3A_379 = vector.shape_cast %parallel_loop3A_378 : vector<1x16xf32> to vector<16xf32>
        %parallel_loop3A_380 = vector.shape_cast %parallel_loop3A_375 : vector<16xf32> to vector<1x16xf32>
        tpu.vector_store %arg9[%parallel_loop3A_376, %parallel_loop3A_377], %parallel_loop3A_380 {strides = array<i32>} : memref<72x64xf32, #tpu.memory_space<vmem>>, vector<1x16xf32>,
        %parallel_loop3A_381 = arith.index_cast %parallel_loop3A_344 : i32 to index
        %parallel_loop3A_382 = arith.constant 48 : index
        %parallel_loop3A_383 = tpu.vector_load %arg9[%parallel_loop3A_381, %parallel_loop3A_382] {strides = array<i32>} : memref<72x64xf32, #tpu.memory_space<vmem>>, vector<1x16xf32>,
        %parallel_loop3A_384 = vector.shape_cast %parallel_loop3A_383 : vector<1x16xf32> to vector<16xf32>
        %parallel_loop3A_385 = arith.constant 8.000000e+00 : f32
        %parallel_loop3A_386 = vector.broadcast %parallel_loop3A_385 : f32 to vector<16xf32>
        %parallel_loop3A_387 = arith.mulf %parallel_loop3A_384, %parallel_loop3A_386 : vector<16xf32>
        %parallel_loop3A_388 = arith.index_cast %parallel_loop3A_344 : i32 to index
        %parallel_loop3A_389 = arith.constant 48 : index
        %parallel_loop3A_390 = tpu.vector_load %arg9[%parallel_loop3A_388, %parallel_loop3A_389] {strides = array<i32>} : memref<72x64xf32, #tpu.memory_space<vmem>>, vector<1x16xf32>,
        %parallel_loop3A_391 = vector.shape_cast %parallel_loop3A_390 : vector<1x16xf32> to vector<16xf32>
        %parallel_loop3A_392 = vector.shape_cast %parallel_loop3A_387 : vector<16xf32> to vector<1x16xf32>
        tpu.vector_store %arg9[%parallel_loop3A_388, %parallel_loop3A_389], %parallel_loop3A_392 {strides = array<i32>} : memref<72x64xf32, #tpu.memory_space<vmem>>, vector<1x16xf32>,
      } {sc.loop_unroll_factor = 8 : i64, sc.parallel_access}
      %jit3A_307 = arith.constant 2 : i32
      %div3A_308 = arith.divsi %add3A_273, %jit3A_307 : i32
      %sign3A_309 = arith.constant 0 : i32
      %sign3A_310 = arith.cmpi sgt, %add3A_273, %sign3A_309 : i32
      %sign3A_311 = arith.extui %sign3A_310 : i1 to i32
      %sign3A_312 = arith.constant 0 : i32
      %sign3A_313 = arith.cmpi slt, %add3A_273, %sign3A_312 : i32
      %sign3A_314 = arith.extui %sign3A_313 : i1 to i32
      %sign3A_315 = arith.subi %sign3A_311, %sign3A_314 : i32
      %sign3A_316 = arith.constant 0 : i32
      %sign3A_317 = arith.cmpi sgt, %jit3A_307, %sign3A_316 : i32
      %sign3A_318 = arith.extui %sign3A_317 : i1 to i32
      %sign3A_319 = arith.constant 0 : i32
      %sign3A_320 = arith.cmpi slt, %jit3A_307, %sign3A_319 : i32
      %sign3A_321 = arith.extui %sign3A_320 : i1 to i32
      %sign3A_322 = arith.subi %sign3A_318, %sign3A_321 : i32
      %ne3A_323 = arith.cmpi ne, %sign3A_315, %sign3A_322 : i32
      %rem3A_324 = arith.remsi %add3A_273, %jit3A_307 : i32
      %ne3A_325 = arith.constant 0 : i32
      %ne3A_326 = arith.cmpi ne, %rem3A_324, %ne3A_325 : i32
      %and3A_327 = arith.andi %ne3A_323, %ne3A_326 : i1
      %sub3A_328 = arith.constant 1 : i32
      %sub3A_329 = arith.subi %div3A_308, %sub3A_328 : i32
      %select_n3A_330 = arith.select %and3A_327, %sub3A_329, %div3A_308 : i32
      %add3A_331 = arith.addi %mul3A_2, %select_n3A_330 : i32
      %dma_start3A_332 = arith.constant 128 : i32
      %dma_start3A_333 = arith.constant 0 : i32
      %dma_start3A_334 = tpu.memref_slice %arg4[%add3A_331, %dma_start3A_332, %dma_start3A_333] : memref<4096x200x64xf32, #tpu.memory_space<hbm>> -> memref<1x72x64xf32, #tpu.memory_space<hbm>>
      %dma_start3A_335 = tpu.memref_squeeze %dma_start3A_334 : memref<1x72x64xf32, #tpu.memory_space<hbm>> -> memref<72x64xf32, #tpu.memory_space<hbm>>
      %dma_start3A_336 = arith.constant 128 : i32
      %dma_start3A_337 = arith.constant 0 : i32
      %dma_start3A_338 = tpu.memref_slice %arg4[%add3A_331, %dma_start3A_336, %dma_start3A_337] : memref<4096x200x64xf32, #tpu.memory_space<hbm>> -> memref<1x72x64xf32, #tpu.memory_space<hbm>>
      %dma_start3A_339 = tpu.memref_squeeze %dma_start3A_338 : memref<1x72x64xf32, #tpu.memory_space<hbm>> -> memref<72x64xf32, #tpu.memory_space<hbm>>
      tpu.enqueue_dma source(%arg9 : memref<72x64xf32, #tpu.memory_space<vmem>>) target(%dma_start3A_339 : memref<72x64xf32, #tpu.memory_space<hbm>>) target_semaphore(%arg17 : memref<!tpu.dma_semaphore, #tpu.memory_space<semaphore_mem>>)
      %add3A_340 = arith.constant 4 : i32
      %add3A_341 = arith.addi %mul3A_76, %add3A_340 : i32
      %lt3A = arith.constant 256 : i32
      %lt3A_342 = arith.cmpi slt, %add3A_341, %lt3A : i32
      %convert_element_type3A = arith.extui %lt3A_342 : i1 to i32
      %cond3A = arith.constant 0 : i32
      %cond3A_343 = arith.cmpi ne, %convert_element_type3A, %cond3A : i32
      scf.if %cond3A_343 {
        %add3A_344 = arith.constant 0 : i32
        %add3A_345 = arith.addi %mul3A_76, %add3A_344 : i32
        %jit3A_346 = arith.constant 2 : i32
        %div3A_347 = arith.divsi %add3A_345, %jit3A_346 : i32
        %sign3A_348 = arith.constant 0 : i32
        %sign3A_349 = arith.cmpi sgt, %add3A_345, %sign3A_348 : i32
        %sign3A_350 = arith.extui %sign3A_349 : i1 to i32
        %sign3A_351 = arith.constant 0 : i32
        %sign3A_352 = arith.cmpi slt, %add3A_345, %sign3A_351 : i32
        %sign3A_353 = arith.extui %sign3A_352 : i1 to i32
        %sign3A_354 = arith.subi %sign3A_350, %sign3A_353 : i32
        %sign3A_355 = arith.constant 0 : i32
        %sign3A_356 = arith.cmpi sgt, %jit3A_346, %sign3A_355 : i32
        %sign3A_357 = arith.extui %sign3A_356 : i1 to i32
        %sign3A_358 = arith.constant 0 : i32
        %sign3A_359 = arith.cmpi slt, %jit3A_346, %sign3A_358 : i32
        %sign3A_360 = arith.extui %sign3A_359 : i1 to i32
        %sign3A_361 = arith.subi %sign3A_357, %sign3A_360 : i32
        %ne3A_362 = arith.cmpi ne, %sign3A_354, %sign3A_361 : i32
        %rem3A_363 = arith.remsi %add3A_345, %jit3A_346 : i32
        %ne3A_364 = arith.constant 0 : i32
        %ne3A_365 = arith.cmpi ne, %rem3A_363, %ne3A_364 : i32
        %and3A_366 = arith.andi %ne3A_362, %ne3A_365 : i1
        %sub3A_367 = arith.constant 1 : i32
        %sub3A_368 = arith.subi %div3A_347, %sub3A_367 : i32
        %select_n3A_369 = arith.select %and3A_366, %sub3A_368, %div3A_347 : i32
        %add3A_370 = arith.addi %mul3A_2, %select_n3A_369 : i32
        %dma_wait3A_371 = arith.constant 0 : i32
        %dma_wait3A_372 = arith.constant 0 : i32
        %dma_wait3A_373 = tpu.memref_slice %arg4[%add3A_370, %dma_wait3A_371, %dma_wait3A_372] : memref<4096x200x64xf32, #tpu.memory_space<hbm>> -> memref<1x128x64xf32, #tpu.memory_space<hbm>>
        %dma_wait3A_374 = tpu.memref_squeeze %dma_wait3A_373 : memref<1x128x64xf32, #tpu.memory_space<hbm>> -> memref<128x64xf32, #tpu.memory_space<hbm>>
        %dma_wait3A_375 = arith.constant 0 : i32
        %dma_wait3A_376 = arith.constant 0 : i32
        %dma_wait3A_377 = tpu.memref_slice %arg4[%add3A_370, %dma_wait3A_375, %dma_wait3A_376] : memref<4096x200x64xf32, #tpu.memory_space<hbm>> -> memref<1x128x64xf32, #tpu.memory_space<hbm>>
        %dma_wait3A_378 = tpu.memref_squeeze %dma_wait3A_377 : memref<1x128x64xf32, #tpu.memory_space<hbm>> -> memref<128x64xf32, #tpu.memory_space<hbm>>
        tpu.wait_dma2 semaphore(%arg14 : memref<!tpu.dma_semaphore, #tpu.memory_space<semaphore_mem>>) src(%arg6 : memref<128x64xf32, #tpu.memory_space<vmem>>) dst(%dma_wait3A_378 : memref<128x64xf32, #tpu.memory_space<hbm>>)
        %add3A_379 = arith.constant 4 : i32
        %add3A_380 = arith.addi %mul3A_76, %add3A_379 : i32
        %add3A_381 = arith.constant 0 : i32
        %add3A_382 = arith.addi %add3A_380, %add3A_381 : i32
        %jit3A_383 = arith.constant 2 : i32
        %div3A_384 = arith.divsi %add3A_382, %jit3A_383 : i32
        %sign3A_385 = arith.constant 0 : i32
        %sign3A_386 = arith.cmpi sgt, %add3A_382, %sign3A_385 : i32
        %sign3A_387 = arith.extui %sign3A_386 : i1 to i32
        %sign3A_388 = arith.constant 0 : i32
        %sign3A_389 = arith.cmpi slt, %add3A_382, %sign3A_388 : i32
        %sign3A_390 = arith.extui %sign3A_389 : i1 to i32
        %sign3A_391 = arith.subi %sign3A_387, %sign3A_390 : i32
        %sign3A_392 = arith.constant 0 : i32
        %sign3A_393 = arith.cmpi sgt, %jit3A_383, %sign3A_392 : i32
        %sign3A_394 = arith.extui %sign3A_393 : i1 to i32
        %sign3A_395 = arith.constant 0 : i32
        %sign3A_396 = arith.cmpi slt, %jit3A_383, %sign3A_395 : i32
        %sign3A_397 = arith.extui %sign3A_396 : i1 to i32
        %sign3A_398 = arith.subi %sign3A_394, %sign3A_397 : i32
        %ne3A_399 = arith.cmpi ne, %sign3A_391, %sign3A_398 : i32
        %rem3A_400 = arith.remsi %add3A_382, %jit3A_383 : i32
        %ne3A_401 = arith.constant 0 : i32
        %ne3A_402 = arith.cmpi ne, %rem3A_400, %ne3A_401 : i32
        %and3A_403 = arith.andi %ne3A_399, %ne3A_402 : i1
        %sub3A_404 = arith.constant 1 : i32
        %sub3A_405 = arith.subi %div3A_384, %sub3A_404 : i32
        %select_n3A_406 = arith.select %and3A_403, %sub3A_405, %div3A_384 : i32
        %dma_start3A_407 = arith.constant 0 : i32
        %dma_start3A_408 = tpu.memref_slice %arg5[%select_n3A_406, %dma_start3A_407] : memref<128x200xi32, #tpu.memory_space<vmem>> -> memref<1x128xi32, #tpu.memory_space<vmem>>
        %dma_start3A_409 = tpu.memref_squeeze %dma_start3A_408 : memref<1x128xi32, #tpu.memory_space<vmem>> -> memref<128xi32, #tpu.memory_space<vmem>>
        %dma_start3A_410 = arith.constant 0 : i32
        %dma_start3A_411 = arith.constant 0 : i32
        %dma_start3A_412 = tpu.memref_slice %arg3[%dma_start3A_410, %dma_start3A_411] : memref<1000000x64xf32, #tpu.memory_space<hbm>> -> memref<1000000x64xf32, #tpu.memory_space<hbm>>
        tpu.enqueue_indirect_dma source(%dma_start3A_412 : memref<1000000x64xf32, #tpu.memory_space<hbm>>) target(%arg6 : memref<128x64xf32, #tpu.memory_space<vmem>>) offsets(%dma_start3A_409 : memref<128xi32, #tpu.memory_space<vmem>>) semaphore(%arg10 : memref<!tpu.dma_semaphore, #tpu.memory_space<semaphore_mem>>)
        %add3A_413 = arith.constant 1 : i32
        %add3A_414 = arith.addi %mul3A_76, %add3A_413 : i32
        %jit3A_415 = arith.constant 2 : i32
        %div3A_416 = arith.divsi %add3A_414, %jit3A_415 : i32
        %sign3A_417 = arith.constant 0 : i32
        %sign3A_418 = arith.cmpi sgt, %add3A_414, %sign3A_417 : i32
        %sign3A_419 = arith.extui %sign3A_418 : i1 to i32
        %sign3A_420 = arith.constant 0 : i32
        %sign3A_421 = arith.cmpi slt, %add3A_414, %sign3A_420 : i32
        %sign3A_422 = arith.extui %sign3A_421 : i1 to i32
        %sign3A_423 = arith.subi %sign3A_419, %sign3A_422 : i32
        %sign3A_424 = arith.constant 0 : i32
        %sign3A_425 = arith.cmpi sgt, %jit3A_415, %sign3A_424 : i32
        %sign3A_426 = arith.extui %sign3A_425 : i1 to i32
        %sign3A_427 = arith.constant 0 : i32
        %sign3A_428 = arith.cmpi slt, %jit3A_415, %sign3A_427 : i32
        %sign3A_429 = arith.extui %sign3A_428 : i1 to i32
        %sign3A_430 = arith.subi %sign3A_426, %sign3A_429 : i32
        %ne3A_431 = arith.cmpi ne, %sign3A_423, %sign3A_430 : i32
        %rem3A_432 = arith.remsi %add3A_414, %jit3A_415 : i32
        %ne3A_433 = arith.constant 0 : i32
        %ne3A_434 = arith.cmpi ne, %rem3A_432, %ne3A_433 : i32
        %and3A_435 = arith.andi %ne3A_431, %ne3A_434 : i1
        %sub3A_436 = arith.constant 1 : i32
        %sub3A_437 = arith.subi %div3A_416, %sub3A_436 : i32
        %select_n3A_438 = arith.select %and3A_435, %sub3A_437, %div3A_416 : i32
        %add3A_439 = arith.addi %mul3A_2, %select_n3A_438 : i32
        %dma_wait3A_440 = arith.constant 128 : i32
        %dma_wait3A_441 = arith.constant 0 : i32
        %dma_wait3A_442 = tpu.memref_slice %arg4[%add3A_439, %dma_wait3A_440, %dma_wait3A_441] : memref<4096x200x64xf32, #tpu.memory_space<hbm>> -> memref<1x72x64xf32, #tpu.memory_space<hbm>>
        %dma_wait3A_443 = tpu.memref_squeeze %dma_wait3A_442 : memref<1x72x64xf32, #tpu.memory_space<hbm>> -> memref<72x64xf32, #tpu.memory_space<hbm>>
        %dma_wait3A_444 = arith.constant 128 : i32
        %dma_wait3A_445 = arith.constant 0 : i32
        %dma_wait3A_446 = tpu.memref_slice %arg4[%add3A_439, %dma_wait3A_444, %dma_wait3A_445] : memref<4096x200x64xf32, #tpu.memory_space<hbm>> -> memref<1x72x64xf32, #tpu.memory_space<hbm>>
        %dma_wait3A_447 = tpu.memref_squeeze %dma_wait3A_446 : memref<1x72x64xf32, #tpu.memory_space<hbm>> -> memref<72x64xf32, #tpu.memory_space<hbm>>
        tpu.wait_dma2 semaphore(%arg15 : memref<!tpu.dma_semaphore, #tpu.memory_space<semaphore_mem>>) src(%arg7 : memref<72x64xf32, #tpu.memory_space<vmem>>) dst(%dma_wait3A_447 : memref<72x64xf32, #tpu.memory_space<hbm>>)
        %add3A_448 = arith.constant 4 : i32
        %add3A_449 = arith.addi %mul3A_76, %add3A_448 : i32
        %add3A_450 = arith.constant 1 : i32
        %add3A_451 = arith.addi %add3A_449, %add3A_450 : i32
        %jit3A_452 = arith.constant 2 : i32
        %div3A_453 = arith.divsi %add3A_451, %jit3A_452 : i32
        %sign3A_454 = arith.constant 0 : i32
        %sign3A_455 = arith.cmpi sgt, %add3A_451, %sign3A_454 : i32
        %sign3A_456 = arith.extui %sign3A_455 : i1 to i32
        %sign3A_457 = arith.constant 0 : i32
        %sign3A_458 = arith.cmpi slt, %add3A_451, %sign3A_457 : i32
        %sign3A_459 = arith.extui %sign3A_458 : i1 to i32
        %sign3A_460 = arith.subi %sign3A_456, %sign3A_459 : i32
        %sign3A_461 = arith.constant 0 : i32
        %sign3A_462 = arith.cmpi sgt, %jit3A_452, %sign3A_461 : i32
        %sign3A_463 = arith.extui %sign3A_462 : i1 to i32
        %sign3A_464 = arith.constant 0 : i32
        %sign3A_465 = arith.cmpi slt, %jit3A_452, %sign3A_464 : i32
        %sign3A_466 = arith.extui %sign3A_465 : i1 to i32
        %sign3A_467 = arith.subi %sign3A_463, %sign3A_466 : i32
        %ne3A_468 = arith.cmpi ne, %sign3A_460, %sign3A_467 : i32
        %rem3A_469 = arith.remsi %add3A_451, %jit3A_452 : i32
        %ne3A_470 = arith.constant 0 : i32
        %ne3A_471 = arith.cmpi ne, %rem3A_469, %ne3A_470 : i32
        %and3A_472 = arith.andi %ne3A_468, %ne3A_471 : i1
        %sub3A_473 = arith.constant 1 : i32
        %sub3A_474 = arith.subi %div3A_453, %sub3A_473 : i32
        %select_n3A_475 = arith.select %and3A_472, %sub3A_474, %div3A_453 : i32
        %dma_start3A_476 = arith.constant 128 : i32
        %dma_start3A_477 = tpu.memref_slice %arg5[%select_n3A_475, %dma_start3A_476] : memref<128x200xi32, #tpu.memory_space<vmem>> -> memref<1x72xi32, #tpu.memory_space<vmem>>
        %dma_start3A_478 = tpu.memref_squeeze %dma_start3A_477 : memref<1x72xi32, #tpu.memory_space<vmem>> -> memref<72xi32, #tpu.memory_space<vmem>>
        %dma_start3A_479 = arith.constant 0 : i32
        %dma_start3A_480 = arith.constant 0 : i32
        %dma_start3A_481 = tpu.memref_slice %arg3[%dma_start3A_479, %dma_start3A_480] : memref<1000000x64xf32, #tpu.memory_space<hbm>> -> memref<1000000x64xf32, #tpu.memory_space<hbm>>
        tpu.enqueue_indirect_dma source(%dma_start3A_481 : memref<1000000x64xf32, #tpu.memory_space<hbm>>) target(%arg7 : memref<72x64xf32, #tpu.memory_space<vmem>>) offsets(%dma_start3A_478 : memref<72xi32, #tpu.memory_space<vmem>>) semaphore(%arg11 : memref<!tpu.dma_semaphore, #tpu.memory_space<semaphore_mem>>)
        %add3A_482 = arith.constant 2 : i32
        %add3A_483 = arith.addi %mul3A_76, %add3A_482 : i32
        %jit3A_484 = arith.constant 2 : i32
        %div3A_485 = arith.divsi %add3A_483, %jit3A_484 : i32
        %sign3A_486 = arith.constant 0 : i32
        %sign3A_487 = arith.cmpi sgt, %add3A_483, %sign3A_486 : i32
        %sign3A_488 = arith.extui %sign3A_487 : i1 to i32
        %sign3A_489 = arith.constant 0 : i32
        %sign3A_490 = arith.cmpi slt, %add3A_483, %sign3A_489 : i32
        %sign3A_491 = arith.extui %sign3A_490 : i1 to i32
        %sign3A_492 = arith.subi %sign3A_488, %sign3A_491 : i32
        %sign3A_493 = arith.constant 0 : i32
        %sign3A_494 = arith.cmpi sgt, %jit3A_484, %sign3A_493 : i32
        %sign3A_495 = arith.extui %sign3A_494 : i1 to i32
        %sign3A_496 = arith.constant 0 : i32
        %sign3A_497 = arith.cmpi slt, %jit3A_484, %sign3A_496 : i32
        %sign3A_498 = arith.extui %sign3A_497 : i1 to i32
        %sign3A_499 = arith.subi %sign3A_495, %sign3A_498 : i32
        %ne3A_500 = arith.cmpi ne, %sign3A_492, %sign3A_499 : i32
        %rem3A_501 = arith.remsi %add3A_483, %jit3A_484 : i32
        %ne3A_502 = arith.constant 0 : i32
        %ne3A_503 = arith.cmpi ne, %rem3A_501, %ne3A_502 : i32
        %and3A_504 = arith.andi %ne3A_500, %ne3A_503 : i1
        %sub3A_505 = arith.constant 1 : i32
        %sub3A_506 = arith.subi %div3A_485, %sub3A_505 : i32
        %select_n3A_507 = arith.select %and3A_504, %sub3A_506, %div3A_485 : i32
        %add3A_508 = arith.addi %mul3A_2, %select_n3A_507 : i32
        %dma_wait3A_509 = arith.constant 0 : i32
        %dma_wait3A_510 = arith.constant 0 : i32
        %dma_wait3A_511 = tpu.memref_slice %arg4[%add3A_508, %dma_wait3A_509, %dma_wait3A_510] : memref<4096x200x64xf32, #tpu.memory_space<hbm>> -> memref<1x128x64xf32, #tpu.memory_space<hbm>>
        %dma_wait3A_512 = tpu.memref_squeeze %dma_wait3A_511 : memref<1x128x64xf32, #tpu.memory_space<hbm>> -> memref<128x64xf32, #tpu.memory_space<hbm>>
        %dma_wait3A_513 = arith.constant 0 : i32
        %dma_wait3A_514 = arith.constant 0 : i32
        %dma_wait3A_515 = tpu.memref_slice %arg4[%add3A_508, %dma_wait3A_513, %dma_wait3A_514] : memref<4096x200x64xf32, #tpu.memory_space<hbm>> -> memref<1x128x64xf32, #tpu.memory_space<hbm>>
        %dma_wait3A_516 = tpu.memref_squeeze %dma_wait3A_515 : memref<1x128x64xf32, #tpu.memory_space<hbm>> -> memref<128x64xf32, #tpu.memory_space<hbm>>
        tpu.wait_dma2 semaphore(%arg16 : memref<!tpu.dma_semaphore, #tpu.memory_space<semaphore_mem>>) src(%arg8 : memref<128x64xf32, #tpu.memory_space<vmem>>) dst(%dma_wait3A_516 : memref<128x64xf32, #tpu.memory_space<hbm>>)
        %add3A_517 = arith.constant 4 : i32
        %add3A_518 = arith.addi %mul3A_76, %add3A_517 : i32
        %add3A_519 = arith.constant 2 : i32
        %add3A_520 = arith.addi %add3A_518, %add3A_519 : i32
        %jit3A_521 = arith.constant 2 : i32
        %div3A_522 = arith.divsi %add3A_520, %jit3A_521 : i32
        %sign3A_523 = arith.constant 0 : i32
        %sign3A_524 = arith.cmpi sgt, %add3A_520, %sign3A_523 : i32
        %sign3A_525 = arith.extui %sign3A_524 : i1 to i32
        %sign3A_526 = arith.constant 0 : i32
        %sign3A_527 = arith.cmpi slt, %add3A_520, %sign3A_526 : i32
        %sign3A_528 = arith.extui %sign3A_527 : i1 to i32
        %sign3A_529 = arith.subi %sign3A_525, %sign3A_528 : i32
        %sign3A_530 = arith.constant 0 : i32
        %sign3A_531 = arith.cmpi sgt, %jit3A_521, %sign3A_530 : i32
        %sign3A_532 = arith.extui %sign3A_531 : i1 to i32
        %sign3A_533 = arith.constant 0 : i32
        %sign3A_534 = arith.cmpi slt, %jit3A_521, %sign3A_533 : i32
        %sign3A_535 = arith.extui %sign3A_534 : i1 to i32
        %sign3A_536 = arith.subi %sign3A_532, %sign3A_535 : i32
        %ne3A_537 = arith.cmpi ne, %sign3A_529, %sign3A_536 : i32
        %rem3A_538 = arith.remsi %add3A_520, %jit3A_521 : i32
        %ne3A_539 = arith.constant 0 : i32
        %ne3A_540 = arith.cmpi ne, %rem3A_538, %ne3A_539 : i32
        %and3A_541 = arith.andi %ne3A_537, %ne3A_540 : i1
        %sub3A_542 = arith.constant 1 : i32
        %sub3A_543 = arith.subi %div3A_522, %sub3A_542 : i32
        %select_n3A_544 = arith.select %and3A_541, %sub3A_543, %div3A_522 : i32
        %dma_start3A_545 = arith.constant 0 : i32
        %dma_start3A_546 = tpu.memref_slice %arg5[%select_n3A_544, %dma_start3A_545] : memref<128x200xi32, #tpu.memory_space<vmem>> -> memref<1x128xi32, #tpu.memory_space<vmem>>
        %dma_start3A_547 = tpu.memref_squeeze %dma_start3A_546 : memref<1x128xi32, #tpu.memory_space<vmem>> -> memref<128xi32, #tpu.memory_space<vmem>>
        %dma_start3A_548 = arith.constant 0 : i32
        %dma_start3A_549 = arith.constant 0 : i32
        %dma_start3A_550 = tpu.memref_slice %arg3[%dma_start3A_548, %dma_start3A_549] : memref<1000000x64xf32, #tpu.memory_space<hbm>> -> memref<1000000x64xf32, #tpu.memory_space<hbm>>
        tpu.enqueue_indirect_dma source(%dma_start3A_550 : memref<1000000x64xf32, #tpu.memory_space<hbm>>) target(%arg8 : memref<128x64xf32, #tpu.memory_space<vmem>>) offsets(%dma_start3A_547 : memref<128xi32, #tpu.memory_space<vmem>>) semaphore(%arg12 : memref<!tpu.dma_semaphore, #tpu.memory_space<semaphore_mem>>)
        %add3A_551 = arith.constant 3 : i32
        %add3A_552 = arith.addi %mul3A_76, %add3A_551 : i32
        %jit3A_553 = arith.constant 2 : i32
        %div3A_554 = arith.divsi %add3A_552, %jit3A_553 : i32
        %sign3A_555 = arith.constant 0 : i32
        %sign3A_556 = arith.cmpi sgt, %add3A_552, %sign3A_555 : i32
        %sign3A_557 = arith.extui %sign3A_556 : i1 to i32
        %sign3A_558 = arith.constant 0 : i32
        %sign3A_559 = arith.cmpi slt, %add3A_552, %sign3A_558 : i32
        %sign3A_560 = arith.extui %sign3A_559 : i1 to i32
        %sign3A_561 = arith.subi %sign3A_557, %sign3A_560 : i32
        %sign3A_562 = arith.constant 0 : i32
        %sign3A_563 = arith.cmpi sgt, %jit3A_553, %sign3A_562 : i32
        %sign3A_564 = arith.extui %sign3A_563 : i1 to i32
        %sign3A_565 = arith.constant 0 : i32
        %sign3A_566 = arith.cmpi slt, %jit3A_553, %sign3A_565 : i32
        %sign3A_567 = arith.extui %sign3A_566 : i1 to i32
        %sign3A_568 = arith.subi %sign3A_564, %sign3A_567 : i32
        %ne3A_569 = arith.cmpi ne, %sign3A_561, %sign3A_568 : i32
        %rem3A_570 = arith.remsi %add3A_552, %jit3A_553 : i32
        %ne3A_571 = arith.constant 0 : i32
        %ne3A_572 = arith.cmpi ne, %rem3A_570, %ne3A_571 : i32
        %and3A_573 = arith.andi %ne3A_569, %ne3A_572 : i1
        %sub3A_574 = arith.constant 1 : i32
        %sub3A_575 = arith.subi %div3A_554, %sub3A_574 : i32
        %select_n3A_576 = arith.select %and3A_573, %sub3A_575, %div3A_554 : i32
        %add3A_577 = arith.addi %mul3A_2, %select_n3A_576 : i32
        %dma_wait3A_578 = arith.constant 128 : i32
        %dma_wait3A_579 = arith.constant 0 : i32
        %dma_wait3A_580 = tpu.memref_slice %arg4[%add3A_577, %dma_wait3A_578, %dma_wait3A_579] : memref<4096x200x64xf32, #tpu.memory_space<hbm>> -> memref<1x72x64xf32, #tpu.memory_space<hbm>>
        %dma_wait3A_581 = tpu.memref_squeeze %dma_wait3A_580 : memref<1x72x64xf32, #tpu.memory_space<hbm>> -> memref<72x64xf32, #tpu.memory_space<hbm>>
        %dma_wait3A_582 = arith.constant 128 : i32
        %dma_wait3A_583 = arith.constant 0 : i32
        %dma_wait3A_584 = tpu.memref_slice %arg4[%add3A_577, %dma_wait3A_582, %dma_wait3A_583] : memref<4096x200x64xf32, #tpu.memory_space<hbm>> -> memref<1x72x64xf32, #tpu.memory_space<hbm>>
        %dma_wait3A_585 = tpu.memref_squeeze %dma_wait3A_584 : memref<1x72x64xf32, #tpu.memory_space<hbm>> -> memref<72x64xf32, #tpu.memory_space<hbm>>
        tpu.wait_dma2 semaphore(%arg17 : memref<!tpu.dma_semaphore, #tpu.memory_space<semaphore_mem>>) src(%arg9 : memref<72x64xf32, #tpu.memory_space<vmem>>) dst(%dma_wait3A_585 : memref<72x64xf32, #tpu.memory_space<hbm>>)
        %add3A_586 = arith.constant 4 : i32
        %add3A_587 = arith.addi %mul3A_76, %add3A_586 : i32
        %add3A_588 = arith.constant 3 : i32
        %add3A_589 = arith.addi %add3A_587, %add3A_588 : i32
        %jit3A_590 = arith.constant 2 : i32
        %div3A_591 = arith.divsi %add3A_589, %jit3A_590 : i32
        %sign3A_592 = arith.constant 0 : i32
        %sign3A_593 = arith.cmpi sgt, %add3A_589, %sign3A_592 : i32
        %sign3A_594 = arith.extui %sign3A_593 : i1 to i32
        %sign3A_595 = arith.constant 0 : i32
        %sign3A_596 = arith.cmpi slt, %add3A_589, %sign3A_595 : i32
        %sign3A_597 = arith.extui %sign3A_596 : i1 to i32
        %sign3A_598 = arith.subi %sign3A_594, %sign3A_597 : i32
        %sign3A_599 = arith.constant 0 : i32
        %sign3A_600 = arith.cmpi sgt, %jit3A_590, %sign3A_599 : i32
        %sign3A_601 = arith.extui %sign3A_600 : i1 to i32
        %sign3A_602 = arith.constant 0 : i32
        %sign3A_603 = arith.cmpi slt, %jit3A_590, %sign3A_602 : i32
        %sign3A_604 = arith.extui %sign3A_603 : i1 to i32
        %sign3A_605 = arith.subi %sign3A_601, %sign3A_604 : i32
        %ne3A_606 = arith.cmpi ne, %sign3A_598, %sign3A_605 : i32
        %rem3A_607 = arith.remsi %add3A_589, %jit3A_590 : i32
        %ne3A_608 = arith.constant 0 : i32
        %ne3A_609 = arith.cmpi ne, %rem3A_607, %ne3A_608 : i32
        %and3A_610 = arith.andi %ne3A_606, %ne3A_609 : i1
        %sub3A_611 = arith.constant 1 : i32
        %sub3A_612 = arith.subi %div3A_591, %sub3A_611 : i32
        %select_n3A_613 = arith.select %and3A_610, %sub3A_612, %div3A_591 : i32
        %dma_start3A_614 = arith.constant 128 : i32
        %dma_start3A_615 = tpu.memref_slice %arg5[%select_n3A_613, %dma_start3A_614] : memref<128x200xi32, #tpu.memory_space<vmem>> -> memref<1x72xi32, #tpu.memory_space<vmem>>
        %dma_start3A_616 = tpu.memref_squeeze %dma_start3A_615 : memref<1x72xi32, #tpu.memory_space<vmem>> -> memref<72xi32, #tpu.memory_space<vmem>>
        %dma_start3A_617 = arith.constant 0 : i32
        %dma_start3A_618 = arith.constant 0 : i32
        %dma_start3A_619 = tpu.memref_slice %arg3[%dma_start3A_617, %dma_start3A_618] : memref<1000000x64xf32, #tpu.memory_space<hbm>> -> memref<1000000x64xf32, #tpu.memory_space<hbm>>
        tpu.enqueue_indirect_dma source(%dma_start3A_619 : memref<1000000x64xf32, #tpu.memory_space<hbm>>) target(%arg9 : memref<72x64xf32, #tpu.memory_space<vmem>>) offsets(%dma_start3A_616 : memref<72xi32, #tpu.memory_space<vmem>>) semaphore(%arg13 : memref<!tpu.dma_semaphore, #tpu.memory_space<semaphore_mem>>)
      } else {
      }
    }
    %scan3A_34 = arith.constant 64 : i32
    %add3A_35 = arith.constant 126 : i32
    %add3A_36 = arith.addi %mul3A_2, %add3A_35 : i32
    %dma_wait3A = arith.constant 0 : i32
    %dma_wait3A_37 = arith.constant 0 : i32
    %dma_wait3A_38 = tpu.memref_slice %arg4[%add3A_36, %dma_wait3A, %dma_wait3A_37] : memref<4096x200x64xf32, #tpu.memory_space<hbm>> -> memref<1x128x64xf32, #tpu.memory_space<hbm>>
    %dma_wait3A_39 = tpu.memref_squeeze %dma_wait3A_38 : memref<1x128x64xf32, #tpu.memory_space<hbm>> -> memref<128x64xf32, #tpu.memory_space<hbm>>
    %dma_wait3A_40 = arith.constant 0 : i32
    %dma_wait3A_41 = arith.constant 0 : i32
    %dma_wait3A_42 = tpu.memref_slice %arg4[%add3A_36, %dma_wait3A_40, %dma_wait3A_41] : memref<4096x200x64xf32, #tpu.memory_space<hbm>> -> memref<1x128x64xf32, #tpu.memory_space<hbm>>
    %dma_wait3A_43 = tpu.memref_squeeze %dma_wait3A_42 : memref<1x128x64xf32, #tpu.memory_space<hbm>> -> memref<128x64xf32, #tpu.memory_space<hbm>>
    tpu.wait_dma2 semaphore(%arg14 : memref<!tpu.dma_semaphore, #tpu.memory_space<semaphore_mem>>) src(%arg6 : memref<128x64xf32, #tpu.memory_space<vmem>>) dst(%dma_wait3A_43 : memref<128x64xf32, #tpu.memory_space<hbm>>)
    %add3A_44 = arith.constant 126 : i32
    %add3A_45 = arith.addi %mul3A_2, %add3A_44 : i32
    %dma_wait3A_46 = arith.constant 128 : i32
    %dma_wait3A_47 = arith.constant 0 : i32
    %dma_wait3A_48 = tpu.memref_slice %arg4[%add3A_45, %dma_wait3A_46, %dma_wait3A_47] : memref<4096x200x64xf32, #tpu.memory_space<hbm>> -> memref<1x72x64xf32, #tpu.memory_space<hbm>>
    %dma_wait3A_49 = tpu.memref_squeeze %dma_wait3A_48 : memref<1x72x64xf32, #tpu.memory_space<hbm>> -> memref<72x64xf32, #tpu.memory_space<hbm>>
    %dma_wait3A_50 = arith.constant 128 : i32
    %dma_wait3A_51 = arith.constant 0 : i32
    %dma_wait3A_52 = tpu.memref_slice %arg4[%add3A_45, %dma_wait3A_50, %dma_wait3A_51] : memref<4096x200x64xf32, #tpu.memory_space<hbm>> -> memref<1x72x64xf32, #tpu.memory_space<hbm>>
    %dma_wait3A_53 = tpu.memref_squeeze %dma_wait3A_52 : memref<1x72x64xf32, #tpu.memory_space<hbm>> -> memref<72x64xf32, #tpu.memory_space<hbm>>
    tpu.wait_dma2 semaphore(%arg15 : memref<!tpu.dma_semaphore, #tpu.memory_space<semaphore_mem>>) src(%arg7 : memref<72x64xf32, #tpu.memory_space<vmem>>) dst(%dma_wait3A_53 : memref<72x64xf32, #tpu.memory_space<hbm>>)
    %add3A_54 = arith.constant 127 : i32
    %add3A_55 = arith.addi %mul3A_2, %add3A_54 : i32
    %dma_wait3A_56 = arith.constant 0 : i32
    %dma_wait3A_57 = arith.constant 0 : i32
    %dma_wait3A_58 = tpu.memref_slice %arg4[%add3A_55, %dma_wait3A_56, %dma_wait3A_57] : memref<4096x200x64xf32, #tpu.memory_space<hbm>> -> memref<1x128x64xf32, #tpu.memory_space<hbm>>
    %dma_wait3A_59 = tpu.memref_squeeze %dma_wait3A_58 : memref<1x128x64xf32, #tpu.memory_space<hbm>> -> memref<128x64xf32, #tpu.memory_space<hbm>>
    %dma_wait3A_60 = arith.constant 0 : i32
    %dma_wait3A_61 = arith.constant 0 : i32
    %dma_wait3A_62 = tpu.memref_slice %arg4[%add3A_55, %dma_wait3A_60, %dma_wait3A_61] : memref<4096x200x64xf32, #tpu.memory_space<hbm>> -> memref<1x128x64xf32, #tpu.memory_space<hbm>>
    %dma_wait3A_63 = tpu.memref_squeeze %dma_wait3A_62 : memref<1x128x64xf32, #tpu.memory_space<hbm>> -> memref<128x64xf32, #tpu.memory_space<hbm>>
    tpu.wait_dma2 semaphore(%arg16 : memref<!tpu.dma_semaphore, #tpu.memory_space<semaphore_mem>>) src(%arg8 : memref<128x64xf32, #tpu.memory_space<vmem>>) dst(%dma_wait3A_63 : memref<128x64xf32, #tpu.memory_space<hbm>>)
    %add3A_64 = arith.constant 127 : i32
    %add3A_65 = arith.addi %mul3A_2, %add3A_64 : i32
    %dma_wait3A_66 = arith.constant 128 : i32
    %dma_wait3A_67 = arith.constant 0 : i32
    %dma_wait3A_68 = tpu.memref_slice %arg4[%add3A_65, %dma_wait3A_66, %dma_wait3A_67] : memref<4096x200x64xf32, #tpu.memory_space<hbm>> -> memref<1x72x64xf32, #tpu.memory_space<hbm>>
    %dma_wait3A_69 = tpu.memref_squeeze %dma_wait3A_68 : memref<1x72x64xf32, #tpu.memory_space<hbm>> -> memref<72x64xf32, #tpu.memory_space<hbm>>
    %dma_wait3A_70 = arith.constant 128 : i32
    %dma_wait3A_71 = arith.constant 0 : i32
    %dma_wait3A_72 = tpu.memref_slice %arg4[%add3A_65, %dma_wait3A_70, %dma_wait3A_71] : memref<4096x200x64xf32, #tpu.memory_space<hbm>> -> memref<1x72x64xf32, #tpu.memory_space<hbm>>
    %dma_wait3A_73 = tpu.memref_squeeze %dma_wait3A_72 : memref<1x72x64xf32, #tpu.memory_space<hbm>> -> memref<72x64xf32, #tpu.memory_space<hbm>>
    tpu.wait_dma2 semaphore(%arg17 : memref<!tpu.dma_semaphore, #tpu.memory_space<semaphore_mem>>) src(%arg9 : memref<72x64xf32, #tpu.memory_space<vmem>>) dst(%dma_wait3A_73 : memref<72x64xf32, #tpu.memory_space<hbm>>)
    return
  }
}

</mosaic_0001>

<sc_bundles>
// kernel: kernel.3.cloned.1.call-start
scs
__scs_entry_jumppad:
0x0: {  	(pc) =	sbr.rel $0x88, $3  }
0x1: {  	(tag) =	ssettag $0x0;
	lr =	simm.s32 $0x1  }
0x2: {  	[smem:$0x3F9F] =	sst lr;
	_ =	strace $0xD0000000  }
0x3: {  	_ = 	snop  }
0x4: {  	_ = 	snop  }
0x5: {  	_ = 	snop  }
0x6: {  	_ = 	snop  }
0x7: {  	_ = 	snop  }
__scs_overlays_trampoline_lowered:
0x8: {  	[smem:$0x3FAE] =	sst s0  }
0x9: {  	[smem:$0x3FAF] =	sst s1  }
0xa: {  	[smem:$0x3FB0] =	sst s2  }
0xb: {  	[smem:$0x3FB1] =	sst s3  }
0xc: {  	[smem:$0x3FB2] =	sst s4  }
0xd: {  	[smem:$0x3FB3] =	sst s5  }
0xe: {  	[smem:$0x3FB4] =	sst s6  }
0xf: {  	[smem:$0x3FB5] =	sst s7  }
0x10: {  	[smem:$0x3FB6] =	sst s8  }
0x11: {  	[smem:$0x3FB7] =	sst s9;
	s0 =	simm.s32 @!p0 $0x0  }
0x12: {  	s1 =	sld [smem:$0x3F9D];
	s0 =	simm.s32 @p0 $0x1  }
0x13: {  	[smem:$0x3FB8] =	sst s0;
	s0 =	simm.s32 @!p1 $0x0  }
0x14: {  	s2 =	sld [smem:$0x3F9C];
	s0 =	simm.s32 @p1 $0x1  }
0x15: {  	[smem:$0x3FB9] =	sst s0;
	s0 =	simm.s32 @!p2 $0x0  }
0x16: {  	s3 =	sld [smem:$0x3FDB];
	s0 =	simm.s32 @p2 $0x1  }
0x17: {  	s4 =	simm.s32 $0x1BF5;
	[smem:$0x3FBB] =	sst s0  }
0x18: {  	s0 =	sld [smem:$0x3F9E];
	_ =	swait.ge [sflag:s4], $0x0  }
0x19: {  	s7 =	sld [smem:$0x3F9F]  }
0x1a: {  	s8 =	sadd.s32 $0xFFFFE003, lr  }
0x1b: {  	s9 =	sadd.s32 $0xFFFFFEF7, lr;
	s5 =	simm.s32 $0xFFFFFFFF;
	p2 =	slt.u32 s8, $0xFFFFF086  }
0x1c: {  	p1 =	slt.u32 s9, $0xF7A;
	s5 =	simm.s32 @!p2 $0x0  }
0x1d: {  	s5 =	simm.s32 @p1 $0x1;
	p0 =	seq.s32 s7, s2  }
0x1e: {  	s7 =	smul.u32 @!p0 $0xF7A, s2;
	p2 =	seq.s32 @!p0 s5, $0x0  }
0x1f: {  	s9 =	smul.u32 $0xF7A, s1;
	s8 =	simm.s32 @!p0 $0x1BF5;
	p2 =	por !p2, p0  }
0x20: {  	[sflag:s8] =	ssyncset.s32 @!p0 $0xFFFFF086;
	s6 =	sadd.s32 @!p0 s3, s7;
	s7 =	simm.s32 @!p0 $0x108  }
0x21: {  	s3 =	sadd.s32 s3, s9;
	s6 =	sadd.s32 @!p0 $0x88, s6;
	s7 =	simm.s32 @p2 $0x1082  }
0x22: {  	[simem:s7], [sflag:s8] =	dma.local @!p0 [hbm:s6], $0xF7A  }
0x23: {  	s9 =	sor.u32 $0xD0000000, s2;
	s6 =	simm.s32 $0x108;
	_ =	swait.ge @!p0 [sflag:s8], $0x0  }
0x24: {  	s3 =	sadd.s32 $0x88, s3;
	s6 =	simm.s32 @!p1 $0x1082;
	[sflag:s4] =	ssyncset.s32 $0xFFFFF086  }
0x25: {  	[simem:s6], [sflag:s4] =	dma.local [hbm:s3], $0xF7A  }
0x26: {  	[smem:$0x3F9F] =	sst s1;
	(tag) =	ssettag s2;
	_ =	strace s9  }
0x27: {  	s1 =	sld [smem:$0x3FAF]  }
0x28: {  	s2 =	sld [smem:$0x3FB0]  }
0x29: {  	s4 =	sld [smem:$0x3FB2]  }
0x2a: {  	p0 =	seq.s32 s5, $0x0;
	s5 =	sld [smem:$0x3FB3]  }
0x2b: {  	s6 =	sld [smem:$0x3FB4]  }
0x2c: {  	s7 =	sld [smem:$0x3FB5]  }
0x2d: {  	s3 =	simm.s32 $0x108;
	s8 =	sld [smem:$0x3FB6]  }
0x2e: {  	s3 =	simm.s32 @!p0 $0x1082;
	s9 =	sld [smem:$0x3FB7]  }
0x2f: {  	lr =	sadd.s32 s0, s3;
	s0 =	sld [smem:$0x3FAE]  }
0x30: {  	s3 =	sld [smem:$0x3FB1]  }
0x31: {  	[smem:$0x3FBA] =	sst s10  }
0x32: {  	s10 =	sld [smem:$0x3FB8];
	_ =	sdelay $0x3  }
0x33: {  	p0 =	seq.s32 s10, $0x1;
	s10 =	sld [smem:$0x3FBA];
	_ =	sdelay $0x3  }
0x34: {  	[smem:$0x3FBA] =	sst s10  }
0x35: {  	s10 =	sld [smem:$0x3FB9];
	_ =	sdelay $0x3  }
0x36: {  	p1 =	seq.s32 s10, $0x1;
	s10 =	sld [smem:$0x3FBA];
	_ =	sdelay $0x3  }
0x37: {  	[smem:$0x3FBA] =	sst s10  }
0x38: {  	s10 =	sld [smem:$0x3FBB]  }
0x39: {  	_ = 	snop;
	(pc) =	sbr.ind lr, $3  }
0x3a: {  	_ = 	snop  }
0x3b: {  	_ = 	snop  }
0x3c: {  	p2 =	seq.s32 s10, $0x1;
	s10 =	sld [smem:$0x3FBA]  }
0x3d: {  	_ =	shalt  }
0x3e: {  	_ =	shalt  }
0x3f: {  	_ =	shalt  }
0x40: {  	_ =	shalt  }
0x41: {  	_ =	shalt  }
0x42: {  	_ =	shalt  }
0x43: {  	_ =	shalt  }
0x44: {  	_ =	shalt  }
0x45: {  	_ =	shalt  }
0x46: {  	_ =	shalt  }
0x47: {  	_ =	shalt  }
0x48: {  	_ =	shalt  }
0x49: {  	_ =	shalt  }
0x4a: {  	_ =	shalt  }
0x4b: {  	_ =	shalt  }
0x4c: {  	_ =	shalt  }
0x4d: {  	_ =	shalt  }
0x4e: {  	_ =	shalt  }
0x4f: {  	_ =	shalt  }
0x50: {  	_ =	shalt  }
0x51: {  	_ =	shalt  }
0x52: {  	_ =	shalt  }
0x53: {  	_ =	shalt  }
0x54: {  	_ =	shalt  }
0x55: {  	_ =	shalt  }
0x56: {  	_ =	shalt  }
0x57: {  	_ =	shalt  }
0x58: {  	_ =	shalt  }
0x59: {  	_ =	shalt  }
0x5a: {  	_ =	shalt  }
0x5b: {  	_ =	shalt  }
0x5c: {  	_ =	shalt  }
0x5d: {  	_ =	shalt  }
0x5e: {  	_ =	shalt  }
0x5f: {  	_ =	shalt  }
0x60: {  	_ =	shalt  }
0x61: {  	_ =	shalt  }
0x62: {  	_ =	shalt  }
0x63: {  	_ =	shalt  }
0x64: {  	_ =	shalt  }
0x65: {  	_ =	shalt  }
0x66: {  	_ =	shalt  }
0x67: {  	_ =	shalt  }
0x68: {  	_ =	shalt  }
0x69: {  	_ =	shalt  }
0x6a: {  	_ =	shalt  }
0x6b: {  	_ =	shalt  }
0x6c: {  	_ =	shalt  }
0x6d: {  	_ =	shalt  }
0x6e: {  	_ =	shalt  }
0x6f: {  	_ =	shalt  }
0x70: {  	_ =	shalt  }
0x71: {  	_ =	shalt  }
0x72: {  	_ =	shalt  }
0x73: {  	_ =	shalt  }
0x74: {  	_ =	shalt  }
0x75: {  	_ =	shalt  }
0x76: {  	_ =	shalt  }
0x77: {  	_ =	shalt  }
0x78: {  	_ =	shalt  }
0x79: {  	_ =	shalt  }
0x7a: {  	_ =	shalt  }
0x7b: {  	_ =	shalt  }
0x7c: {  	_ =	shalt  }
0x7d: {  	_ =	shalt  }
0x7e: {  	_ =	shalt  }
0x7f: {  	_ =	shalt  }
0x80: {  	_ =	shalt  }
0x81: {  	_ =	shalt  }
0x82: {  	_ =	shalt  }
0x83: {  	_ =	shalt  }
0x84: {  	_ =	shalt  }
0x85: {  	_ =	shalt  }
0x86: {  	_ =	shalt  }
0x87: {  	_ =	shalt  }
.Lfunc_end0:
.L_simem_size_0:
called_computation.1_lowered:
.L_overlay_start_0:
0x88: {  	s2 =	sld [smem:$0x3FD9]  }
0x89: {  	s3 =	sld [smem:$0x3FFE];
	_ =	sdelay $0x1  }
0x8a: {  	s1 =	srdreg.scid  }
0x8b: {  	s0 =	sand.u32 $0x1, s1  }
0x8c: {  	s17 =	sshll.u32 s0, $0xA;
	s2 =	sadd.s32 s3, s2  }
0x8d: {  	s2 =	sadd.s32 s2, s17  }
0x8e: {  	[smem:$0x3FC6] =	sst s2  }
0x8f: {  	_ = 	snop  }
0x90: {  	s2 =	sld [smem:$0x3FD0];
	(tm) =	ssettm $0x1  }
0x91: {  	s18 =	sld [smem:$0x3FFB];
	_ =	sdelay $0x3  }
0x92: {  	_ =	strace s18  }
0x93: {  	s3 =	sld [smem:$0x3FFC];
	_ =	sdelay $0x3  }
0x94: {  	_ =	strace s3  }
0x95: {  	s3 =	sld [smem:$0x3FFD];
	_ =	sdelay $0x3  }
0x96: {  	_ =	strace s3  }
0x97: {  	_ =	strace $0x8FFFFFFF  }
0x98: {  	s19 =	sld [smem:$0x3FDB];
	_ =	sdelay $0x1  }
0x99: {  	s4 =	simm.s32 $_scs_section_size  }
0x9a: {  	s5 =	simm.s32 $_size__tile_overlayer_lowered;
	s6 =	simm.s32 $_tile_overlayer_lowered  }
0x9b: {  	s22 =	simm.s32 $0x1BFF;
	s21 =	sshll.u32 s6, $0x1;
	s3 =	sadd.s32 s4, s19  }
0x9c: {  	s7 =	simm.s32 $0x0;
	s20 =	sshll.u32 s5, $0x1;
	s5 =	sadd.s32 s21, s3  }
0x9d: {  	[timem:s7], [sflag:s22] =	dma.local [hbm:s5], s20  }
0x9e: {  	_ =	swait.ge [sflag:s22], s20  }
0x9f: {  	s4 =	ssub.s32 $0x0, s20;
	[sflag:s22] =	ssyncset.done $0x0  }
0xa0: {  	[sflag:s22] =	ssyncadd.s32 s4;
	_ =	sdelay $0x1  }
0xa1: {  	s23 =	simm.s32 $0x1B8B  }
0xa2: {  	_ =	swait.ge [sflag:s23], $0x1  }
0xa3: {  	[sflag:s23] =	ssyncset.done $0x0  }
0xa4: {  	s25 =	simm.s32 $0x1B8E;
	s24 =	sld [smem:$0x3FFE];
	[sflag:s23] =	ssyncadd.s32 $0xFFFFFFFF  }
0xa5: {  	s26 =	simm.s32 $execute0_lowered;
	[smem:$0x3FD2] =	sst s25  }
0xa6: {  	s5 =	sshll.u32 s26, $0x1;
	_ =	strace $0x80000046;
	[dreg:$0x1] =	wrdreg $0xFFFFFFFF  }
0xa7: {  	s28 =	simm.s32 $_size_execute0_lowered;
	s3 =	sadd.s32 s3, s5;
	[dreg:$0x0] =	wrdreg $0x0  }
0xa8: {  	s5 =	sshll.u32 s28, $0x1;
	[dreg:$0x2] =	wrdreg s3  }
0xa9: {  	[dreg:$0x3] =	wrdreg s5  }
0xaa: {  	[dreg:$0x4] =	wrdreg $0xC0  }
0xab: {  	_ =	task [dreg:s7], $0x5FFFF  }
0xac: {  	[dreg:$0x1] =	wrdreg $0xFFFFFFFF  }
0xad: {  	[dreg:$0x0] =	wrdreg $0x60  }
0xae: {  	[dreg:$0x2] =	wrdreg s24  }
0xaf: {  	[dreg:$0x3] =	wrdreg s2  }
0xb0: {  	[dreg:$0x4] =	wrdreg $0x9  }
0xb1: {  	_ =	task.clear_ibuf [dreg:s7], $0x5FFFF;
	_ =	strace $0x90000046  }
0xb2: {  	s29 =	simm.s32 $0x9;
	_ =	strace $0x80000048  }
0xb3: {  	_ =	swait.ge [sflag:s29], $0x1  }
0xb4: {  	[sflag:s29] =	ssyncadd.s32 $0xFFFFFFFF  }
0xb5: {  	_ =	strace $0x90000048  }
0xb6: {  	_ =	sfence  }
0xb7: {  	s30 =	sld [smem:$0x0];
	_ =	sdelay $0x2  }
0xb8: {  	s31 =	sshll.u32 s1, $0xD;
	s1 =	sshrl.u32 s1, $0x2  }
0xb9: {  	s3 =	sand.u32 $0x4000, s31;
	s1 =	sadd.s32 s1, s30  }
0xba: {  	s0 =	sor.u32 s3, s0;
	s1 =	sshll.u32 s1, $0x11  }
0xbb: {  	s0 =	sor.u32 s1, s0  }
0xbc: {  	s0 =	sadd.s32 $0x8F2B, s0  }
0xbd: {  	[sflag:s0] =	ssyncadd.remote.s32 $0x1  }
0xbe: {  	_ =	sfence.sel $0xFFFF  }
0xbf: {  	[dreg:$0x0] =	wrdreg $0xFFFFFFFF;
	(pc) =	sbr.abs _section_cstart, $3  }
0xc0: {  	[dreg:$0x1] =	wrdreg $0xFFFFFFFF  }
0xc1: {  	_ =	task.clear_ibuf [dreg:s7], $0x2FFFF;
	_ =	strace $0x9FFFFFFF  }
0xc2: {  	(tm) =	ssettm $0x7FFFFFFF  }
0xc3: {  	_ =	shalt  }
tec
execute0_lowered:
.L_overlay_start_1:
0x0: {  	(tag) =	ssettag $0x1  }
0x1: {  	s1 =	srdreg.scid  }
0x2: {  	s5 =	rddreg [dreg:$0x0];
	s0 =	stileid.u32  }
0x3: {  	s2 =	rddreg [dreg:$0x1];
	s9 =	simm.s32 $0x80;
	s10 =	simm.s32 $0x6400  }
0x4: {  	s11 =	simm.s32 $0x48;
	s12 =	simm.s32 $0x8400;
	s13 =	simm.s32 $0xC8  }
0x5: {  	s14 =	simm.s32 $0x9600;
	s15 =	simm.s32 $0x148;
	s16 =	simm.s32 $0xB600  }
0x6: {  	s17 =	simm.s32 $0x1;
	s18 =	simm.s32 $0x2;
	s19 =	simm.s32 $0x3  }
0x7: {  	s20 =	simm.s32 $0x4;
	s21 =	simm.s32 $0x5;
	s22 =	simm.s32 $0x6  }
0x8: {  	s23 =	simm.s32 $0x7;
	s24 =	simm.s32 $0x8;
	s6 =	sand.u32 $0x1, s1  }
0x9: {  	s3 =	sshll.u32 s0, $0x8;
	s1 =	rddreg [dreg:$0x2];
	s4 =	sshll.u32 s6, $0x7  }
.Ltmp0:
0xa: {  	s6 =	ssub.s32 $0x2, s6;
	s3 =	sor.u32 s4, s3;
	(pc) =	sbr.rel .LBB2_1-.Ltmp0, $4  }
0xb: {  	s4 =	simm.s32 $0x0;
	s8 =	sshrl.u32 s6, $0x1;
	s7 =	smul.u32 $0x19, s3  }
0xc: {  	s25 =	simm.s32 $0x0;
	[smem:$0x7FF] =	sst s4;
	s8 =	ssub.s32 s6, s8  }
0xd: {  	_ =	strace $0x80000047;
	s7 =	sadd.s32 s7, s5;
	s5 =	sadd.s32 $0xF42E00, s5  }
0xe: {  	s6 =	sadd.s32 $0xA00, s7;
	s7 =	smax.u32 s8, $0x1;
	s8 =	simm.s32 $0x9  }
.LBB2_12:
0xf: {  	_ =	swait.ge [sflag:s21], $0x2000  }
0x10: {  	[sflag:s21] =	ssyncset.done $0x0  }
0x11: {  	[sflag:s21] =	ssyncadd.s32 $0xFFFFE000  }
0x12: {  	_ =	swait.ge [sflag:s22], $0x1200  }
0x13: {  	[sflag:s22] =	ssyncset.done $0x0  }
0x14: {  	s25 =	sadd.s32 $0x1, s25;
	[sflag:s22] =	ssyncadd.s32 $0xFFFFEE00  }
0x15: {  	p0 =	sne.s32 s25, s7;
	_ =	swait.ge [sflag:s23], $0x2000  }
.Ltmp1:
0x16: {  	[sflag:s23] =	ssyncset.done $0x0;
	(pc) =	sbr.rel @!p0 .LBB2_13-.Ltmp1, $4  }
0x17: {  	[sflag:s23] =	ssyncadd.s32 $0xFFFFE000  }
0x18: {  	_ =	swait.ge [sflag:s24], $0x1200  }
0x19: {  	[sflag:s24] =	ssyncset.done $0x0  }
0x1a: {  	[sflag:s24] =	ssyncadd.s32 $0xFFFFEE00  }
.LBB2_1:
0x1b: {  	[tilespmem:s4], [sflag:$0x9] =	stream.linear.gather [hbm4b:s6+s4], $0x6400, $0x38;
	[tilespmem:$0xC800] =	vst v63  }
0x1c: {  	_ =	swait.ge [sflag:s8], $0x6400  }
0x1d: {  	[sflag:s8] =	ssyncset.done $0x0  }
0x1e: {  	[sflag:s8] =	ssyncadd.s32 $0xFFFF9C00  }
0x1f: {  	[tilespmem:s10], [sflag:$0x1] =	stream.indirect.gather [hbm4b:s5+s9], $0x40, s4, s9, $0xb8;
	[tilespmem:$0xC800] =	vst v63  }
0x20: {  	_ = 	snop  }
0x21: {  	[tilespmem:s12], [sflag:$0x2] =	stream.indirect.gather [hbm4b:s5+s11], $0x40, s9, s11, $0xb8;
	[tilespmem:$0xC800] =	vst v63  }
0x22: {  	_ = 	snop  }
0x23: {  	[tilespmem:s14], [sflag:$0x3] =	stream.indirect.gather [hbm4b:s5+s9], $0x40, s13, s9, $0xb8;
	[tilespmem:$0xC800] =	vst v63  }
0x24: {  	s26 =	simm.s32 $0x0  }
0x25: {  	[tilespmem:s16], [sflag:$0x4] =	stream.indirect.gather [hbm4b:s5+s11], $0x40, s15, s11, $0xb8;
	[tilespmem:$0xC800] =	vst v63  }
.LBB2_2:
0x26: {  	_ =	swait.ge [sflag:s17], $0x2000  }
0x27: {  	[sflag:s17] =	ssyncset.done $0x0  }
0x28: {  	s29 =	simm.s32 $0x6500;
	[sflag:s17] =	ssyncadd.s32 $0xFFFFE000  }
0x29: {  	v0 =	vld [tilespmem:s29+$0xF0]  }
0x2a: {  	v1 =	vld [tilespmem:s29+$0xFFFFFF10]  }
0x2b: {  	v2 =	vld [tilespmem:s29+$0xFFFFFF20]  }
0x2c: {  	v3 =	vld [tilespmem:s29+$0xFFFFFF30]  }
0x2d: {  	v4 =	vld [tilespmem:s29+$0xFFFFFF40]  }
0x2e: {  	v5 =	vld [tilespmem:s29+$0xFFFFFF50];
	v0 =	vmul.f32 $8.000000000e+00, v0  }
0x2f: {  	v6 =	vld [tilespmem:s29+$0xFFFFFF60];
	v1 =	vmul.f32 $8.000000000e+00, v1  }
0x30: {  	v7 =	vld [tilespmem:s29+$0xFFFFFF70];
	v2 =	vmul.f32 $8.000000000e+00, v2;
	[tilespmem:s29+$0xF0] =	vst v0  }
0x31: {  	[tilespmem:s29+$0xFFFFFF10] =	vst v1;
	v0 =	vmul.f32 $8.000000000e+00, v3;
	v1 =	vld [tilespmem:s29+$0xFFFFFF80]  }
0x32: {  	[tilespmem:s29+$0xFFFFFF20] =	vst v2;
	v2 =	vmul.f32 $8.000000000e+00, v4;
	v3 =	vld [tilespmem:s29+$0xFFFFFF90]  }
0x33: {  	v4 =	vld [tilespmem:s29+$0xFFFFFFA0];
	[tilespmem:s29+$0xFFFFFF30] =	vst v0;
	v0 =	vmul.f32 $8.000000000e+00, v5  }
0x34: {  	[tilespmem:s29+$0xFFFFFF40] =	vst v2;
	v2 =	vmul.f32 $8.000000000e+00, v6;
	v5 =	vld [tilespmem:s29+$0xFFFFFFB0]  }
0x35: {  	v6 =	vld [tilespmem:s29+$0xFFFFFFC0];
	[tilespmem:s29+$0xFFFFFF50] =	vst v0;
	v0 =	vmul.f32 $8.000000000e+00, v7  }
0x36: {  	[tilespmem:s29+$0xFFFFFF60] =	vst v2;
	v2 =	vld [tilespmem:s29+$0xFFFFFFD0];
	v1 =	vmul.f32 $8.000000000e+00, v1  }
0x37: {  	[tilespmem:s29+$0xFFFFFF70] =	vst v0;
	v0 =	vmul.f32 $8.000000000e+00, v3;
	v3 =	vld [tilespmem:s29+$0xFFFFFFE0]  }
0x38: {  	[tilespmem:s29+$0xFFFFFF80] =	vst v1;
	v1 =	vmul.f32 $8.000000000e+00, v4;
	v4 =	vld [tilespmem:s29+$0xFFFFFFF0]  }
0x39: {  	[tilespmem:s29+$0xFFFFFF90] =	vst v0;
	v0 =	vmul.f32 $8.000000000e+00, v5;
	v5 =	vld [tilespmem:s29+$0x0]  }
0x3a: {  	[tilespmem:s29+$0xFFFFFFA0] =	vst v1;
	v1 =	vmul.f32 $8.000000000e+00, v6;
	v6 =	vld [tilespmem:s29+$0x10]  }
0x3b: {  	[tilespmem:s29+$0xFFFFFFB0] =	vst v0;
	v0 =	vmul.f32 $8.000000000e+00, v2;
	v2 =	vld [tilespmem:s29+$0x20]  }
0x3c: {  	[tilespmem:s29+$0xFFFFFFC0] =	vst v1;
	v1 =	vmul.f32 $8.000000000e+00, v3;
	v3 =	vld [tilespmem:s29+$0x30]  }
0x3d: {  	[tilespmem:s29+$0xFFFFFFD0] =	vst v0;
	v0 =	vmul.f32 $8.000000000e+00, v4;
	v4 =	vld [tilespmem:s29+$0x40]  }
0x3e: {  	[tilespmem:s29+$0xFFFFFFE0] =	vst v1;
	v1 =	vmul.f32 $8.000000000e+00, v5;
	v5 =	vld [tilespmem:s29+$0x50]  }
0x3f: {  	[tilespmem:s29+$0xFFFFFFF0] =	vst v0;
	v0 =	vmul.f32 $8.000000000e+00, v6;
	v6 =	vld [tilespmem:s29+$0x60]  }
0x40: {  	[tilespmem:s29+$0x0] =	vst v1;
	v1 =	vmul.f32 $8.000000000e+00, v2;
	v2 =	vld [tilespmem:s29+$0x70]  }
0x41: {  	[tilespmem:s29+$0x10] =	vst v0;
	v0 =	vmul.f32 $8.000000000e+00, v3;
	v3 =	vld [tilespmem:s29+$0x80]  }
0x42: {  	v7 =	vld [tilespmem:s29+$0x90];
	[tilespmem:s29+$0x20] =	vst v1;
	v1 =	vmul.f32 $8.000000000e+00, v4  }
0x43: {  	v8 =	vld [tilespmem:s29+$0xA0];
	[tilespmem:s29+$0x30] =	vst v0;
	v4 =	vmul.f32 $8.000000000e+00, v5  }
0x44: {  	v0 =	vld [tilespmem:s29+$0xB0];
	[tilespmem:s29+$0x40] =	vst v1;
	v5 =	vmul.f32 $8.000000000e+00, v6  }
0x45: {  	v1 =	vld [tilespmem:s29+$0xC0];
	[tilespmem:s29+$0x50] =	vst v4;
	v2 =	vmul.f32 $8.000000000e+00, v2  }
0x46: {  	v4 =	vld [tilespmem:s29+$0xD0];
	[tilespmem:s29+$0x60] =	vst v5;
	v6 =	vmul.f32 $8.000000000e+00, v3  }
0x47: {  	v5 =	vmul.f32 $8.000000000e+00, v7;
	[tilespmem:s29+$0x70] =	vst v2;
	v2 =	vld [tilespmem:s29+$0xE0]  }
0x48: {  	s28 =	simm.s32 $0x0;
	s30 =	simm.s32 $0x6700;
	v3 =	vld [tilespmem:s29+$0xFFFFFF00];
	[tilespmem:s29+$0x80] =	vst v6;
	v6 =	vmul.f32 $8.000000000e+00, v8  }
.LBB2_3:
0x49: {  	v7 =	vld [tilespmem:s30+$0xF0];
	s28 =	sadd.s32 $0x8, s28;
	[tilespmem:s29+$0x90] =	vst v5;
	v0 =	vmul.f32 $8.000000000e+00, v0  }
0x4a: {  	v5 =	vld [tilespmem:s30+$0xFFFFFF10];
	p0 =	slt.u32 s28, $0x78;
	[tilespmem:s29+$0xA0] =	vst v6;
	v1 =	vmul.f32 $8.000000000e+00, v1  }
0x4b: {  	v6 =	vld [tilespmem:s30+$0xFFFFFF20];
	[tilespmem:s29+$0xB0] =	vst v0;
	v0 =	vmul.f32 $8.000000000e+00, v4  }
0x4c: {  	v4 =	vld [tilespmem:s30+$0xFFFFFF30];
	[tilespmem:s29+$0xC0] =	vst v1;
	v1 =	vmul.f32 $8.000000000e+00, v2  }
0x4d: {  	v2 =	vld [tilespmem:s30+$0xFFFFFF40];
	v3 =	vmul.f32 $8.000000000e+00, v3;
	[tilespmem:s29+$0xD0] =	vst v0  }
0x4e: {  	v0 =	vld [tilespmem:s30+$0xFFFFFF50];
	v7 =	vmul.f32 $8.000000000e+00, v7;
	[tilespmem:s29+$0xE0] =	vst v1  }
0x4f: {  	v1 =	vmul.f32 $8.000000000e+00, v5;
	v5 =	vld [tilespmem:s30+$0xFFFFFF60];
	[tilespmem:s29+$0xFFFFFF00] =	vst v3;
	s29 =	smov.u32 s30  }
0x50: {  	v3 =	vmul.f32 $8.000000000e+00, v6;
	v6 =	vld [tilespmem:s30+$0xFFFFFF70];
	[tilespmem:s30+$0xF0] =	vst v7  }
0x51: {  	[tilespmem:s30+$0xFFFFFF10] =	vst v1;
	v1 =	vmul.f32 $8.000000000e+00, v4;
	v4 =	vld [tilespmem:s30+$0xFFFFFF80]  }
0x52: {  	[tilespmem:s30+$0xFFFFFF20] =	vst v3;
	v2 =	vmul.f32 $8.000000000e+00, v2;
	v3 =	vld [tilespmem:s30+$0xFFFFFF90]  }
0x53: {  	[tilespmem:s30+$0xFFFFFF30] =	vst v1;
	v0 =	vmul.f32 $8.000000000e+00, v0;
	v1 =	vld [tilespmem:s30+$0xFFFFFFA0]  }
0x54: {  	[tilespmem:s30+$0xFFFFFF40] =	vst v2;
	v2 =	vmul.f32 $8.000000000e+00, v5;
	v5 =	vld [tilespmem:s30+$0xFFFFFFB0]  }
0x55: {  	[tilespmem:s30+$0xFFFFFF50] =	vst v0;
	v0 =	vmul.f32 $8.000000000e+00, v6;
	v6 =	vld [tilespmem:s30+$0xFFFFFFC0]  }
0x56: {  	[tilespmem:s30+$0xFFFFFF60] =	vst v2;
	v2 =	vmul.f32 $8.000000000e+00, v4;
	v4 =	vld [tilespmem:s30+$0xFFFFFFD0]  }
0x57: {  	[tilespmem:s30+$0xFFFFFF70] =	vst v0;
	v0 =	vmul.f32 $8.000000000e+00, v3;
	v3 =	vld [tilespmem:s30+$0xFFFFFFE0]  }
0x58: {  	[tilespmem:s30+$0xFFFFFF80] =	vst v2;
	v1 =	vmul.f32 $8.000000000e+00, v1;
	v2 =	vld [tilespmem:s30+$0xFFFFFFF0]  }
0x59: {  	[tilespmem:s30+$0xFFFFFF90] =	vst v0;
	v0 =	vmul.f32 $8.000000000e+00, v5;
	v5 =	vld [tilespmem:s30+$0x0]  }
0x5a: {  	[tilespmem:s30+$0xFFFFFFA0] =	vst v1;
	v1 =	vmul.f32 $8.000000000e+00, v6;
	v6 =	vld [tilespmem:s30+$0x10]  }
0x5b: {  	[tilespmem:s30+$0xFFFFFFB0] =	vst v0;
	v0 =	vmul.f32 $8.000000000e+00, v4;
	v4 =	vld [tilespmem:s30+$0x20]  }
0x5c: {  	[tilespmem:s30+$0xFFFFFFC0] =	vst v1;
	v1 =	vmul.f32 $8.000000000e+00, v3;
	v3 =	vld [tilespmem:s30+$0x30]  }
0x5d: {  	[tilespmem:s30+$0xFFFFFFD0] =	vst v0;
	v0 =	vmul.f32 $8.000000000e+00, v2;
	v2 =	vld [tilespmem:s30+$0x40]  }
0x5e: {  	[tilespmem:s30+$0xFFFFFFE0] =	vst v1;
	v1 =	vmul.f32 $8.000000000e+00, v5;
	v5 =	vld [tilespmem:s30+$0x50]  }
0x5f: {  	[tilespmem:s30+$0xFFFFFFF0] =	vst v0;
	v0 =	vmul.f32 $8.000000000e+00, v6;
	v6 =	vld [tilespmem:s30+$0x60]  }
0x60: {  	[tilespmem:s30+$0x0] =	vst v1;
	v1 =	vmul.f32 $8.000000000e+00, v4;
	v4 =	vld [tilespmem:s30+$0x70]  }
0x61: {  	[tilespmem:s30+$0x10] =	vst v0;
	v0 =	vmul.f32 $8.000000000e+00, v3;
	v3 =	vld [tilespmem:s30+$0x80]  }
0x62: {  	[tilespmem:s30+$0x20] =	vst v1;
	v1 =	vmul.f32 $8.000000000e+00, v2;
	v2 =	vld [tilespmem:s30+$0x90]  }
0x63: {  	[tilespmem:s30+$0x30] =	vst v0;
	v5 =	vmul.f32 $8.000000000e+00, v5;
	v7 =	vld [tilespmem:s30+$0xA0]  }
.Ltmp2:
0x64: {  	[tilespmem:s30+$0x40] =	vst v1;
	v6 =	vmul.f32 $8.000000000e+00, v6;
	v0 =	vld [tilespmem:s30+$0xB0];
	(pc) =	sbr.rel @p0 .LBB2_3-.Ltmp2, $4  }
0x65: {  	[tilespmem:s30+$0x50] =	vst v5;
	v5 =	vmul.f32 $8.000000000e+00, v4;
	v1 =	vld [tilespmem:s30+$0xC0]  }
0x66: {  	[tilespmem:s30+$0x60] =	vst v6;
	v6 =	vmul.f32 $8.000000000e+00, v3;
	v4 =	vld [tilespmem:s30+$0xD0]  }
0x67: {  	[tilespmem:s30+$0x70] =	vst v5;
	v5 =	vmul.f32 $8.000000000e+00, v2;
	v2 =	vld [tilespmem:s30+$0xE0]  }
0x68: {  	s30 =	sadd.s32 $0x200, s30;
	v3 =	vld [tilespmem:s29+$0xFFFFFF00];
	[tilespmem:s29+$0x80] =	vst v6;
	v6 =	vmul.f32 $8.000000000e+00, v7  }
0x69: {  	[tilespmem:s29+$0x90] =	vst v5;
	v0 =	vmul.f32 $8.000000000e+00, v0  }
0x6a: {  	[tilespmem:s29+$0xA0] =	vst v6;
	v1 =	vmul.f32 $8.000000000e+00, v1  }
0x6b: {  	s28 =	sshll.u32 s26, $0x1;
	[tilespmem:s29+$0xB0] =	vst v0;
	v0 =	vmul.f32 $8.000000000e+00, v4  }
0x6c: {  	s28 =	sor.u32 s3, s28;
	[tilespmem:s29+$0xC0] =	vst v1;
	v1 =	vmul.f32 $8.000000000e+00, v2  }
0x6d: {  	s30 =	smul.u32 $0x640, s28;
	v2 =	vmul.f32 $8.000000000e+00, v3;
	[tilespmem:s29+$0xD0] =	vst v0  }
0x6e: {  	[tilespmem:s29+$0xE0] =	vst v1  }
0x6f: {  	[tilespmem:s29+$0xFFFFFF00] =	vst v2;
	s29 =	sadd.s32 s2, s30  }
0x70: {  	[hbm4b:s29+s4] =	stream.linear.scatter [tilespmem:s10], [sflag:$0x5], $0x2000, $0x38;
	[tilespmem:$0xC800] =	vst v63  }
0x71: {  	_ =	swait.ge [sflag:s18], $0x1200  }
0x72: {  	[sflag:s18] =	ssyncset.done $0x0  }
0x73: {  	s29 =	simm.s32 $0x8500;
	[sflag:s18] =	ssyncadd.s32 $0xFFFFEE00  }
0x74: {  	v0 =	vld [tilespmem:s29+$0xF0]  }
0x75: {  	v1 =	vld [tilespmem:s29+$0xFFFFFF10]  }
0x76: {  	v2 =	vld [tilespmem:s29+$0xFFFFFF20]  }
0x77: {  	v3 =	vld [tilespmem:s29+$0xFFFFFF30]  }
0x78: {  	v4 =	vld [tilespmem:s29+$0xFFFFFF40]  }
0x79: {  	v5 =	vld [tilespmem:s29+$0xFFFFFF50];
	v0 =	vmul.f32 $8.000000000e+00, v0  }
0x7a: {  	v6 =	vld [tilespmem:s29+$0xFFFFFF60];
	v1 =	vmul.f32 $8.000000000e+00, v1  }
0x7b: {  	v7 =	vld [tilespmem:s29+$0xFFFFFF70];
	v2 =	vmul.f32 $8.000000000e+00, v2;
	[tilespmem:s29+$0xF0] =	vst v0  }
0x7c: {  	[tilespmem:s29+$0xFFFFFF10] =	vst v1;
	v0 =	vmul.f32 $8.000000000e+00, v3;
	v1 =	vld [tilespmem:s29+$0xFFFFFF80]  }
0x7d: {  	[tilespmem:s29+$0xFFFFFF20] =	vst v2;
	v2 =	vmul.f32 $8.000000000e+00, v4;
	v3 =	vld [tilespmem:s29+$0xFFFFFF90]  }
0x7e: {  	v4 =	vld [tilespmem:s29+$0xFFFFFFA0];
	[tilespmem:s29+$0xFFFFFF30] =	vst v0;
	v0 =	vmul.f32 $8.000000000e+00, v5  }
0x7f: {  	[tilespmem:s29+$0xFFFFFF40] =	vst v2;
	v2 =	vmul.f32 $8.000000000e+00, v6;
	v5 =	vld [tilespmem:s29+$0xFFFFFFB0]  }
0x80: {  	v6 =	vld [tilespmem:s29+$0xFFFFFFC0];
	[tilespmem:s29+$0xFFFFFF50] =	vst v0;
	v0 =	vmul.f32 $8.000000000e+00, v7  }
0x81: {  	[tilespmem:s29+$0xFFFFFF60] =	vst v2;
	v2 =	vld [tilespmem:s29+$0xFFFFFFD0];
	v1 =	vmul.f32 $8.000000000e+00, v1  }
0x82: {  	[tilespmem:s29+$0xFFFFFF70] =	vst v0;
	v0 =	vmul.f32 $8.000000000e+00, v3;
	v3 =	vld [tilespmem:s29+$0xFFFFFFE0]  }
0x83: {  	[tilespmem:s29+$0xFFFFFF80] =	vst v1;
	v1 =	vmul.f32 $8.000000000e+00, v4;
	v4 =	vld [tilespmem:s29+$0xFFFFFFF0]  }
0x84: {  	[tilespmem:s29+$0xFFFFFF90] =	vst v0;
	v0 =	vmul.f32 $8.000000000e+00, v5;
	v5 =	vld [tilespmem:s29+$0x0]  }
0x85: {  	[tilespmem:s29+$0xFFFFFFA0] =	vst v1;
	v1 =	vmul.f32 $8.000000000e+00, v6;
	v6 =	vld [tilespmem:s29+$0x10]  }
0x86: {  	[tilespmem:s29+$0xFFFFFFB0] =	vst v0;
	v0 =	vmul.f32 $8.000000000e+00, v2;
	v2 =	vld [tilespmem:s29+$0x20]  }
0x87: {  	[tilespmem:s29+$0xFFFFFFC0] =	vst v1;
	v1 =	vmul.f32 $8.000000000e+00, v3;
	v3 =	vld [tilespmem:s29+$0x30]  }
0x88: {  	[tilespmem:s29+$0xFFFFFFD0] =	vst v0;
	v0 =	vmul.f32 $8.000000000e+00, v4;
	v4 =	vld [tilespmem:s29+$0x40]  }
0x89: {  	[tilespmem:s29+$0xFFFFFFE0] =	vst v1;
	v1 =	vmul.f32 $8.000000000e+00, v5;
	v5 =	vld [tilespmem:s29+$0x50]  }
0x8a: {  	[tilespmem:s29+$0xFFFFFFF0] =	vst v0;
	v0 =	vmul.f32 $8.000000000e+00, v6;
	v6 =	vld [tilespmem:s29+$0x60]  }
0x8b: {  	[tilespmem:s29+$0x0] =	vst v1;
	v1 =	vmul.f32 $8.000000000e+00, v2;
	v2 =	vld [tilespmem:s29+$0x70]  }
0x8c: {  	[tilespmem:s29+$0x10] =	vst v0;
	v0 =	vmul.f32 $8.000000000e+00, v3;
	v3 =	vld [tilespmem:s29+$0x80]  }
0x8d: {  	[tilespmem:s29+$0x20] =	vst v1;
	v1 =	vmul.f32 $8.000000000e+00, v4;
	v4 =	vld [tilespmem:s29+$0x90]  }
0x8e: {  	v7 =	vld [tilespmem:s29+$0xA0];
	[tilespmem:s29+$0x30] =	vst v0;
	v5 =	vmul.f32 $8.000000000e+00, v5  }
0x8f: {  	v0 =	vld [tilespmem:s29+$0xB0];
	[tilespmem:s29+$0x40] =	vst v1;
	v6 =	vmul.f32 $8.000000000e+00, v6  }
0x90: {  	v1 =	vld [tilespmem:s29+$0xC0];
	[tilespmem:s29+$0x50] =	vst v5;
	v2 =	vmul.f32 $8.000000000e+00, v2  }
0x91: {  	[tilespmem:s29+$0x60] =	vst v6;
	v6 =	vmul.f32 $8.000000000e+00, v3;
	v3 =	vld [tilespmem:s29+$0xD0]  }
0x92: {  	[tilespmem:s29+$0x70] =	vst v2;
	v2 =	vld [tilespmem:s29+$0xE0];
	v5 =	vmul.f32 $8.000000000e+00, v4  }
0x93: {  	s31 =	simm.s32 $0x8700;
	s30 =	simm.s32 $0x0;
	v4 =	vld [tilespmem:s29+$0xFFFFFF00];
	[tilespmem:s29+$0x80] =	vst v6;
	v6 =	vmul.f32 $8.000000000e+00, v7  }
.LBB2_5:
0x94: {  	v7 =	vld [tilespmem:s31+$0xF0];
	s30 =	sadd.s32 $0x8, s30;
	[tilespmem:s29+$0x90] =	vst v5;
	v0 =	vmul.f32 $8.000000000e+00, v0  }
0x95: {  	v5 =	vld [tilespmem:s31+$0xFFFFFF10];
	p0 =	slt.u32 s30, $0x40;
	[tilespmem:s29+$0xA0] =	vst v6;
	v1 =	vmul.f32 $8.000000000e+00, v1  }
0x96: {  	v6 =	vld [tilespmem:s31+$0xFFFFFF20];
	[tilespmem:s29+$0xB0] =	vst v0;
	v0 =	vmul.f32 $8.000000000e+00, v3  }
0x97: {  	v3 =	vld [tilespmem:s31+$0xFFFFFF30];
	[tilespmem:s29+$0xC0] =	vst v1;
	v1 =	vmul.f32 $8.000000000e+00, v2  }
0x98: {  	v2 =	vld [tilespmem:s31+$0xFFFFFF40];
	v4 =	vmul.f32 $8.000000000e+00, v4;
	[tilespmem:s29+$0xD0] =	vst v0  }
0x99: {  	v0 =	vld [tilespmem:s31+$0xFFFFFF50];
	v7 =	vmul.f32 $8.000000000e+00, v7;
	[tilespmem:s29+$0xE0] =	vst v1  }
0x9a: {  	v1 =	vmul.f32 $8.000000000e+00, v5;
	v5 =	vld [tilespmem:s31+$0xFFFFFF60];
	[tilespmem:s29+$0xFFFFFF00] =	vst v4;
	s29 =	smov.u32 s31  }
0x9b: {  	v4 =	vmul.f32 $8.000000000e+00, v6;
	v6 =	vld [tilespmem:s31+$0xFFFFFF70];
	[tilespmem:s31+$0xF0] =	vst v7  }
0x9c: {  	[tilespmem:s31+$0xFFFFFF10] =	vst v1;
	v1 =	vmul.f32 $8.000000000e+00, v3;
	v3 =	vld [tilespmem:s31+$0xFFFFFF80]  }
0x9d: {  	[tilespmem:s31+$0xFFFFFF20] =	vst v4;
	v2 =	vmul.f32 $8.000000000e+00, v2;
	v4 =	vld [tilespmem:s31+$0xFFFFFF90]  }
0x9e: {  	[tilespmem:s31+$0xFFFFFF30] =	vst v1;
	v0 =	vmul.f32 $8.000000000e+00, v0;
	v1 =	vld [tilespmem:s31+$0xFFFFFFA0]  }
0x9f: {  	[tilespmem:s31+$0xFFFFFF40] =	vst v2;
	v2 =	vmul.f32 $8.000000000e+00, v5;
	v5 =	vld [tilespmem:s31+$0xFFFFFFB0]  }
0xa0: {  	[tilespmem:s31+$0xFFFFFF50] =	vst v0;
	v0 =	vmul.f32 $8.000000000e+00, v6;
	v6 =	vld [tilespmem:s31+$0xFFFFFFC0]  }
0xa1: {  	[tilespmem:s31+$0xFFFFFF60] =	vst v2;
	v2 =	vmul.f32 $8.000000000e+00, v3;
	v3 =	vld [tilespmem:s31+$0xFFFFFFD0]  }
0xa2: {  	[tilespmem:s31+$0xFFFFFF70] =	vst v0;
	v0 =	vmul.f32 $8.000000000e+00, v4;
	v4 =	vld [tilespmem:s31+$0xFFFFFFE0]  }
0xa3: {  	[tilespmem:s31+$0xFFFFFF80] =	vst v2;
	v1 =	vmul.f32 $8.000000000e+00, v1;
	v2 =	vld [tilespmem:s31+$0xFFFFFFF0]  }
0xa4: {  	[tilespmem:s31+$0xFFFFFF90] =	vst v0;
	v0 =	vmul.f32 $8.000000000e+00, v5;
	v5 =	vld [tilespmem:s31+$0x0]  }
0xa5: {  	[tilespmem:s31+$0xFFFFFFA0] =	vst v1;
	v1 =	vmul.f32 $8.000000000e+00, v6;
	v6 =	vld [tilespmem:s31+$0x10]  }
0xa6: {  	[tilespmem:s31+$0xFFFFFFB0] =	vst v0;
	v0 =	vmul.f32 $8.000000000e+00, v3;
	v3 =	vld [tilespmem:s31+$0x20]  }
0xa7: {  	[tilespmem:s31+$0xFFFFFFC0] =	vst v1;
	v1 =	vmul.f32 $8.000000000e+00, v4;
	v4 =	vld [tilespmem:s31+$0x30]  }
0xa8: {  	[tilespmem:s31+$0xFFFFFFD0] =	vst v0;
	v0 =	vmul.f32 $8.000000000e+00, v2;
	v2 =	vld [tilespmem:s31+$0x40]  }
0xa9: {  	[tilespmem:s31+$0xFFFFFFE0] =	vst v1;
	v1 =	vmul.f32 $8.000000000e+00, v5;
	v5 =	vld [tilespmem:s31+$0x50]  }
0xaa: {  	[tilespmem:s31+$0xFFFFFFF0] =	vst v0;
	v0 =	vmul.f32 $8.000000000e+00, v6;
	v6 =	vld [tilespmem:s31+$0x60]  }
0xab: {  	[tilespmem:s31+$0x0] =	vst v1;
	v1 =	vmul.f32 $8.000000000e+00, v3;
	v3 =	vld [tilespmem:s31+$0x70]  }
0xac: {  	[tilespmem:s31+$0x10] =	vst v0;
	v0 =	vmul.f32 $8.000000000e+00, v4;
	v4 =	vld [tilespmem:s31+$0x80]  }
0xad: {  	[tilespmem:s31+$0x20] =	vst v1;
	v1 =	vmul.f32 $8.000000000e+00, v2;
	v2 =	vld [tilespmem:s31+$0x90]  }
0xae: {  	[tilespmem:s31+$0x30] =	vst v0;
	v5 =	vmul.f32 $8.000000000e+00, v5;
	v7 =	vld [tilespmem:s31+$0xA0]  }
.Ltmp3:
0xaf: {  	[tilespmem:s31+$0x40] =	vst v1;
	v6 =	vmul.f32 $8.000000000e+00, v6;
	v0 =	vld [tilespmem:s31+$0xB0];
	(pc) =	sbr.rel @p0 .LBB2_5-.Ltmp3, $4  }
0xb0: {  	[tilespmem:s31+$0x50] =	vst v5;
	v5 =	vmul.f32 $8.000000000e+00, v3;
	v1 =	vld [tilespmem:s31+$0xC0]  }
0xb1: {  	[tilespmem:s31+$0x60] =	vst v6;
	v6 =	vmul.f32 $8.000000000e+00, v4;
	v3 =	vld [tilespmem:s31+$0xD0]  }
0xb2: {  	[tilespmem:s31+$0x70] =	vst v5;
	v5 =	vmul.f32 $8.000000000e+00, v2;
	v2 =	vld [tilespmem:s31+$0xE0]  }
0xb3: {  	s31 =	sadd.s32 $0x200, s31;
	v4 =	vld [tilespmem:s29+$0xFFFFFF00];
	[tilespmem:s29+$0x80] =	vst v6;
	v6 =	vmul.f32 $8.000000000e+00, v7  }
0xb4: {  	[tilespmem:s29+$0x90] =	vst v5;
	v0 =	vmul.f32 $8.000000000e+00, v0  }
0xb5: {  	[tilespmem:s29+$0xA0] =	vst v6;
	v1 =	vmul.f32 $8.000000000e+00, v1  }
0xb6: {  	s30 =	smul.u32 $0x3200, s28;
	[tilespmem:s29+$0xB0] =	vst v0;
	v0 =	vmul.f32 $8.000000000e+00, v3  }
0xb7: {  	[tilespmem:s29+$0xC0] =	vst v1;
	v1 =	vmul.f32 $8.000000000e+00, v2  }
0xb8: {  	s30 =	sshrl.u32 s30, $0x3;
	v2 =	vmul.f32 $8.000000000e+00, v4;
	[tilespmem:s29+$0xD0] =	vst v0  }
0xb9: {  	s30 =	sadd.s32 s2, s30;
	[tilespmem:s29+$0xE0] =	vst v1  }
0xba: {  	[tilespmem:s29+$0xFFFFFF00] =	vst v2;
	s29 =	sadd.s32 $0x400, s30  }
0xbb: {  	[hbm4b:s29+s4] =	stream.linear.scatter [tilespmem:s12], [sflag:$0x6], $0x1200, $0x38;
	[tilespmem:$0xC800] =	vst v63  }
0xbc: {  	_ =	swait.ge [sflag:s19], $0x2000  }
0xbd: {  	[sflag:s19] =	ssyncset.done $0x0  }
0xbe: {  	s29 =	simm.s32 $0x9700;
	[sflag:s19] =	ssyncadd.s32 $0xFFFFE000  }
0xbf: {  	v0 =	vld [tilespmem:s29+$0xF0]  }
0xc0: {  	v1 =	vld [tilespmem:s29+$0xFFFFFF10]  }
0xc1: {  	v2 =	vld [tilespmem:s29+$0xFFFFFF20]  }
0xc2: {  	v3 =	vld [tilespmem:s29+$0xFFFFFF30]  }
0xc3: {  	v4 =	vld [tilespmem:s29+$0xFFFFFF40]  }
0xc4: {  	v5 =	vld [tilespmem:s29+$0xFFFFFF50];
	v0 =	vmul.f32 $8.000000000e+00, v0  }
0xc5: {  	v6 =	vld [tilespmem:s29+$0xFFFFFF60];
	v1 =	vmul.f32 $8.000000000e+00, v1  }
0xc6: {  	v7 =	vld [tilespmem:s29+$0xFFFFFF70];
	v2 =	vmul.f32 $8.000000000e+00, v2;
	[tilespmem:s29+$0xF0] =	vst v0  }
0xc7: {  	[tilespmem:s29+$0xFFFFFF10] =	vst v1;
	v0 =	vmul.f32 $8.000000000e+00, v3;
	v1 =	vld [tilespmem:s29+$0xFFFFFF80]  }
0xc8: {  	[tilespmem:s29+$0xFFFFFF20] =	vst v2;
	v2 =	vmul.f32 $8.000000000e+00, v4;
	v3 =	vld [tilespmem:s29+$0xFFFFFF90]  }
0xc9: {  	v4 =	vld [tilespmem:s29+$0xFFFFFFA0];
	[tilespmem:s29+$0xFFFFFF30] =	vst v0;
	v0 =	vmul.f32 $8.000000000e+00, v5  }
0xca: {  	[tilespmem:s29+$0xFFFFFF40] =	vst v2;
	v2 =	vmul.f32 $8.000000000e+00, v6;
	v5 =	vld [tilespmem:s29+$0xFFFFFFB0]  }
0xcb: {  	v6 =	vld [tilespmem:s29+$0xFFFFFFC0];
	[tilespmem:s29+$0xFFFFFF50] =	vst v0;
	v0 =	vmul.f32 $8.000000000e+00, v7  }
0xcc: {  	[tilespmem:s29+$0xFFFFFF60] =	vst v2;
	v2 =	vld [tilespmem:s29+$0xFFFFFFD0];
	v1 =	vmul.f32 $8.000000000e+00, v1  }
0xcd: {  	[tilespmem:s29+$0xFFFFFF70] =	vst v0;
	v0 =	vmul.f32 $8.000000000e+00, v3;
	v3 =	vld [tilespmem:s29+$0xFFFFFFE0]  }
0xce: {  	[tilespmem:s29+$0xFFFFFF80] =	vst v1;
	v1 =	vmul.f32 $8.000000000e+00, v4;
	v4 =	vld [tilespmem:s29+$0xFFFFFFF0]  }
0xcf: {  	[tilespmem:s29+$0xFFFFFF90] =	vst v0;
	v0 =	vmul.f32 $8.000000000e+00, v5;
	v5 =	vld [tilespmem:s29+$0x0]  }
0xd0: {  	[tilespmem:s29+$0xFFFFFFA0] =	vst v1;
	v1 =	vmul.f32 $8.000000000e+00, v6;
	v6 =	vld [tilespmem:s29+$0x10]  }
0xd1: {  	[tilespmem:s29+$0xFFFFFFB0] =	vst v0;
	v0 =	vmul.f32 $8.000000000e+00, v2;
	v2 =	vld [tilespmem:s29+$0x20]  }
0xd2: {  	[tilespmem:s29+$0xFFFFFFC0] =	vst v1;
	v1 =	vmul.f32 $8.000000000e+00, v3;
	v3 =	vld [tilespmem:s29+$0x30]  }
0xd3: {  	[tilespmem:s29+$0xFFFFFFD0] =	vst v0;
	v0 =	vmul.f32 $8.000000000e+00, v4;
	v4 =	vld [tilespmem:s29+$0x40]  }
0xd4: {  	[tilespmem:s29+$0xFFFFFFE0] =	vst v1;
	v1 =	vmul.f32 $8.000000000e+00, v5;
	v5 =	vld [tilespmem:s29+$0x50]  }
0xd5: {  	[tilespmem:s29+$0xFFFFFFF0] =	vst v0;
	v0 =	vmul.f32 $8.000000000e+00, v6;
	v6 =	vld [tilespmem:s29+$0x60]  }
0xd6: {  	[tilespmem:s29+$0x0] =	vst v1;
	v1 =	vmul.f32 $8.000000000e+00, v2;
	v2 =	vld [tilespmem:s29+$0x70]  }
0xd7: {  	[tilespmem:s29+$0x10] =	vst v0;
	v0 =	vmul.f32 $8.000000000e+00, v3;
	v3 =	vld [tilespmem:s29+$0x80]  }
0xd8: {  	[tilespmem:s29+$0x20] =	vst v1;
	v1 =	vmul.f32 $8.000000000e+00, v4;
	v4 =	vld [tilespmem:s29+$0x90]  }
0xd9: {  	v7 =	vld [tilespmem:s29+$0xA0];
	[tilespmem:s29+$0x30] =	vst v0;
	v5 =	vmul.f32 $8.000000000e+00, v5  }
0xda: {  	v0 =	vld [tilespmem:s29+$0xB0];
	[tilespmem:s29+$0x40] =	vst v1;
	v6 =	vmul.f32 $8.000000000e+00, v6  }
0xdb: {  	v1 =	vld [tilespmem:s29+$0xC0];
	[tilespmem:s29+$0x50] =	vst v5;
	v5 =	vmul.f32 $8.000000000e+00, v2  }
0xdc: {  	v2 =	vld [tilespmem:s29+$0xD0];
	[tilespmem:s29+$0x60] =	vst v6;
	v6 =	vmul.f32 $8.000000000e+00, v3  }
0xdd: {  	v3 =	vld [tilespmem:s29+$0xE0];
	[tilespmem:s29+$0x70] =	vst v5;
	v5 =	vmul.f32 $8.000000000e+00, v4  }
0xde: {  	s31 =	simm.s32 $0x9900;
	s30 =	simm.s32 $0x0;
	v4 =	vld [tilespmem:s29+$0xFFFFFF00];
	[tilespmem:s29+$0x80] =	vst v6;
	v6 =	vmul.f32 $8.000000000e+00, v7  }
.LBB2_7:
0xdf: {  	v7 =	vld [tilespmem:s31+$0xF0];
	s30 =	sadd.s32 $0x8, s30;
	[tilespmem:s29+$0x90] =	vst v5;
	v0 =	vmul.f32 $8.000000000e+00, v0  }
0xe0: {  	v5 =	vld [tilespmem:s31+$0xFFFFFF10];
	p0 =	slt.u32 s30, $0x78;
	[tilespmem:s29+$0xA0] =	vst v6;
	v1 =	vmul.f32 $8.000000000e+00, v1  }
0xe1: {  	v6 =	vld [tilespmem:s31+$0xFFFFFF20];
	[tilespmem:s29+$0xB0] =	vst v0;
	v0 =	vmul.f32 $8.000000000e+00, v2  }
0xe2: {  	v2 =	vld [tilespmem:s31+$0xFFFFFF30];
	[tilespmem:s29+$0xC0] =	vst v1;
	v1 =	vmul.f32 $8.000000000e+00, v3  }
0xe3: {  	v3 =	vld [tilespmem:s31+$0xFFFFFF40];
	v4 =	vmul.f32 $8.000000000e+00, v4;
	[tilespmem:s29+$0xD0] =	vst v0  }
0xe4: {  	v0 =	vld [tilespmem:s31+$0xFFFFFF50];
	v7 =	vmul.f32 $8.000000000e+00, v7;
	[tilespmem:s29+$0xE0] =	vst v1  }
0xe5: {  	v1 =	vmul.f32 $8.000000000e+00, v5;
	v5 =	vld [tilespmem:s31+$0xFFFFFF60];
	[tilespmem:s29+$0xFFFFFF00] =	vst v4;
	s29 =	smov.u32 s31  }
0xe6: {  	v4 =	vmul.f32 $8.000000000e+00, v6;
	v6 =	vld [tilespmem:s31+$0xFFFFFF70];
	[tilespmem:s31+$0xF0] =	vst v7  }
0xe7: {  	[tilespmem:s31+$0xFFFFFF10] =	vst v1;
	v1 =	vmul.f32 $8.000000000e+00, v2;
	v2 =	vld [tilespmem:s31+$0xFFFFFF80]  }
0xe8: {  	[tilespmem:s31+$0xFFFFFF20] =	vst v4;
	v3 =	vmul.f32 $8.000000000e+00, v3;
	v4 =	vld [tilespmem:s31+$0xFFFFFF90]  }
0xe9: {  	[tilespmem:s31+$0xFFFFFF30] =	vst v1;
	v0 =	vmul.f32 $8.000000000e+00, v0;
	v1 =	vld [tilespmem:s31+$0xFFFFFFA0]  }
0xea: {  	[tilespmem:s31+$0xFFFFFF40] =	vst v3;
	v3 =	vmul.f32 $8.000000000e+00, v5;
	v5 =	vld [tilespmem:s31+$0xFFFFFFB0]  }
0xeb: {  	[tilespmem:s31+$0xFFFFFF50] =	vst v0;
	v0 =	vmul.f32 $8.000000000e+00, v6;
	v6 =	vld [tilespmem:s31+$0xFFFFFFC0]  }
0xec: {  	[tilespmem:s31+$0xFFFFFF60] =	vst v3;
	v2 =	vmul.f32 $8.000000000e+00, v2;
	v3 =	vld [tilespmem:s31+$0xFFFFFFD0]  }
0xed: {  	[tilespmem:s31+$0xFFFFFF70] =	vst v0;
	v0 =	vmul.f32 $8.000000000e+00, v4;
	v4 =	vld [tilespmem:s31+$0xFFFFFFE0]  }
0xee: {  	[tilespmem:s31+$0xFFFFFF80] =	vst v2;
	v1 =	vmul.f32 $8.000000000e+00, v1;
	v2 =	vld [tilespmem:s31+$0xFFFFFFF0]  }
0xef: {  	[tilespmem:s31+$0xFFFFFF90] =	vst v0;
	v0 =	vmul.f32 $8.000000000e+00, v5;
	v5 =	vld [tilespmem:s31+$0x0]  }
0xf0: {  	[tilespmem:s31+$0xFFFFFFA0] =	vst v1;
	v1 =	vmul.f32 $8.000000000e+00, v6;
	v6 =	vld [tilespmem:s31+$0x10]  }
0xf1: {  	[tilespmem:s31+$0xFFFFFFB0] =	vst v0;
	v0 =	vmul.f32 $8.000000000e+00, v3;
	v3 =	vld [tilespmem:s31+$0x20]  }
0xf2: {  	[tilespmem:s31+$0xFFFFFFC0] =	vst v1;
	v1 =	vmul.f32 $8.000000000e+00, v4;
	v4 =	vld [tilespmem:s31+$0x30]  }
0xf3: {  	[tilespmem:s31+$0xFFFFFFD0] =	vst v0;
	v0 =	vmul.f32 $8.000000000e+00, v2;
	v2 =	vld [tilespmem:s31+$0x40]  }
0xf4: {  	[tilespmem:s31+$0xFFFFFFE0] =	vst v1;
	v1 =	vmul.f32 $8.000000000e+00, v5;
	v5 =	vld [tilespmem:s31+$0x50]  }
0xf5: {  	[tilespmem:s31+$0xFFFFFFF0] =	vst v0;
	v0 =	vmul.f32 $8.000000000e+00, v6;
	v6 =	vld [tilespmem:s31+$0x60]  }
0xf6: {  	[tilespmem:s31+$0x0] =	vst v1;
	v1 =	vmul.f32 $8.000000000e+00, v3;
	v3 =	vld [tilespmem:s31+$0x70]  }
0xf7: {  	[tilespmem:s31+$0x10] =	vst v0;
	v0 =	vmul.f32 $8.000000000e+00, v4;
	v4 =	vld [tilespmem:s31+$0x80]  }
0xf8: {  	[tilespmem:s31+$0x20] =	vst v1;
	v1 =	vmul.f32 $8.000000000e+00, v2;
	v7 =	vld [tilespmem:s31+$0x90]  }
0xf9: {  	[tilespmem:s31+$0x30] =	vst v0;
	v2 =	vmul.f32 $8.000000000e+00, v5;
	v8 =	vld [tilespmem:s31+$0xA0]  }
.Ltmp4:
0xfa: {  	[tilespmem:s31+$0x40] =	vst v1;
	v5 =	vmul.f32 $8.000000000e+00, v6;
	v0 =	vld [tilespmem:s31+$0xB0];
	(pc) =	sbr.rel @p0 .LBB2_7-.Ltmp4, $4  }
0xfb: {  	[tilespmem:s31+$0x50] =	vst v2;
	v3 =	vmul.f32 $8.000000000e+00, v3;
	v1 =	vld [tilespmem:s31+$0xC0]  }
0xfc: {  	[tilespmem:s31+$0x60] =	vst v5;
	v6 =	vmul.f32 $8.000000000e+00, v4;
	v2 =	vld [tilespmem:s31+$0xD0]  }
0xfd: {  	[tilespmem:s31+$0x70] =	vst v3;
	v5 =	vmul.f32 $8.000000000e+00, v7;
	v3 =	vld [tilespmem:s31+$0xE0]  }
0xfe: {  	s31 =	sadd.s32 $0x200, s31;
	v4 =	vld [tilespmem:s29+$0xFFFFFF00];
	[tilespmem:s29+$0x80] =	vst v6;
	v6 =	vmul.f32 $8.000000000e+00, v8  }
0xff: {  	[tilespmem:s29+$0x90] =	vst v5;
	v0 =	vmul.f32 $8.000000000e+00, v0  }
0x100: {  	[tilespmem:s29+$0xA0] =	vst v6;
	v1 =	vmul.f32 $8.000000000e+00, v1  }
0x101: {  	[tilespmem:s29+$0xB0] =	vst v0;
	v0 =	vmul.f32 $8.000000000e+00, v2  }
0x102: {  	s28 =	sor.u32 $0x1, s28;
	[tilespmem:s29+$0xC0] =	vst v1;
	v1 =	vmul.f32 $8.000000000e+00, v3  }
0x103: {  	s30 =	smul.u32 $0x640, s28;
	v2 =	vmul.f32 $8.000000000e+00, v4;
	[tilespmem:s29+$0xD0] =	vst v0  }
0x104: {  	[tilespmem:s29+$0xE0] =	vst v1  }
0x105: {  	[tilespmem:s29+$0xFFFFFF00] =	vst v2;
	s29 =	sadd.s32 s2, s30  }
0x106: {  	[hbm4b:s29+s4] =	stream.linear.scatter [tilespmem:s14], [sflag:$0x7], $0x2000, $0x38;
	[tilespmem:$0xC800] =	vst v63  }
0x107: {  	_ =	swait.ge [sflag:s20], $0x1200  }
0x108: {  	[sflag:s20] =	ssyncset.done $0x0  }
0x109: {  	s29 =	simm.s32 $0xB700;
	[sflag:s20] =	ssyncadd.s32 $0xFFFFEE00  }
0x10a: {  	v0 =	vld [tilespmem:s29+$0xF0]  }
0x10b: {  	v1 =	vld [tilespmem:s29+$0xFFFFFF10]  }
0x10c: {  	v2 =	vld [tilespmem:s29+$0xFFFFFF20]  }
0x10d: {  	v3 =	vld [tilespmem:s29+$0xFFFFFF30]  }
0x10e: {  	v4 =	vld [tilespmem:s29+$0xFFFFFF40]  }
0x10f: {  	v5 =	vld [tilespmem:s29+$0xFFFFFF50];
	v0 =	vmul.f32 $8.000000000e+00, v0  }
0x110: {  	v6 =	vld [tilespmem:s29+$0xFFFFFF60];
	v1 =	vmul.f32 $8.000000000e+00, v1  }
0x111: {  	v7 =	vld [tilespmem:s29+$0xFFFFFF70];
	v2 =	vmul.f32 $8.000000000e+00, v2;
	[tilespmem:s29+$0xF0] =	vst v0  }
0x112: {  	[tilespmem:s29+$0xFFFFFF10] =	vst v1;
	v0 =	vmul.f32 $8.000000000e+00, v3;
	v1 =	vld [tilespmem:s29+$0xFFFFFF80]  }
0x113: {  	[tilespmem:s29+$0xFFFFFF20] =	vst v2;
	v2 =	vmul.f32 $8.000000000e+00, v4;
	v3 =	vld [tilespmem:s29+$0xFFFFFF90]  }
0x114: {  	v4 =	vld [tilespmem:s29+$0xFFFFFFA0];
	[tilespmem:s29+$0xFFFFFF30] =	vst v0;
	v0 =	vmul.f32 $8.000000000e+00, v5  }
0x115: {  	[tilespmem:s29+$0xFFFFFF40] =	vst v2;
	v2 =	vmul.f32 $8.000000000e+00, v6;
	v5 =	vld [tilespmem:s29+$0xFFFFFFB0]  }
0x116: {  	v6 =	vld [tilespmem:s29+$0xFFFFFFC0];
	[tilespmem:s29+$0xFFFFFF50] =	vst v0;
	v0 =	vmul.f32 $8.000000000e+00, v7  }
0x117: {  	[tilespmem:s29+$0xFFFFFF60] =	vst v2;
	v2 =	vld [tilespmem:s29+$0xFFFFFFD0];
	v1 =	vmul.f32 $8.000000000e+00, v1  }
0x118: {  	[tilespmem:s29+$0xFFFFFF70] =	vst v0;
	v0 =	vmul.f32 $8.000000000e+00, v3;
	v3 =	vld [tilespmem:s29+$0xFFFFFFE0]  }
0x119: {  	[tilespmem:s29+$0xFFFFFF80] =	vst v1;
	v1 =	vmul.f32 $8.000000000e+00, v4;
	v4 =	vld [tilespmem:s29+$0xFFFFFFF0]  }
0x11a: {  	[tilespmem:s29+$0xFFFFFF90] =	vst v0;
	v0 =	vmul.f32 $8.000000000e+00, v5;
	v5 =	vld [tilespmem:s29+$0x0]  }
0x11b: {  	[tilespmem:s29+$0xFFFFFFA0] =	vst v1;
	v1 =	vmul.f32 $8.000000000e+00, v6;
	v6 =	vld [tilespmem:s29+$0x10]  }
0x11c: {  	[tilespmem:s29+$0xFFFFFFB0] =	vst v0;
	v0 =	vmul.f32 $8.000000000e+00, v2;
	v2 =	vld [tilespmem:s29+$0x20]  }
0x11d: {  	[tilespmem:s29+$0xFFFFFFC0] =	vst v1;
	v1 =	vmul.f32 $8.000000000e+00, v3;
	v3 =	vld [tilespmem:s29+$0x30]  }
0x11e: {  	[tilespmem:s29+$0xFFFFFFD0] =	vst v0;
	v0 =	vmul.f32 $8.000000000e+00, v4;
	v4 =	vld [tilespmem:s29+$0x40]  }
0x11f: {  	[tilespmem:s29+$0xFFFFFFE0] =	vst v1;
	v1 =	vmul.f32 $8.000000000e+00, v5;
	v5 =	vld [tilespmem:s29+$0x50]  }
0x120: {  	[tilespmem:s29+$0xFFFFFFF0] =	vst v0;
	v0 =	vmul.f32 $8.000000000e+00, v6;
	v6 =	vld [tilespmem:s29+$0x60]  }
0x121: {  	[tilespmem:s29+$0x0] =	vst v1;
	v1 =	vmul.f32 $8.000000000e+00, v2;
	v2 =	vld [tilespmem:s29+$0x70]  }
0x122: {  	[tilespmem:s29+$0x10] =	vst v0;
	v0 =	vmul.f32 $8.000000000e+00, v3;
	v3 =	vld [tilespmem:s29+$0x80]  }
0x123: {  	[tilespmem:s29+$0x20] =	vst v1;
	v1 =	vmul.f32 $8.000000000e+00, v4;
	v4 =	vld [tilespmem:s29+$0x90]  }
0x124: {  	v7 =	vld [tilespmem:s29+$0xA0];
	[tilespmem:s29+$0x30] =	vst v0;
	v5 =	vmul.f32 $8.000000000e+00, v5  }
0x125: {  	v0 =	vld [tilespmem:s29+$0xB0];
	[tilespmem:s29+$0x40] =	vst v1;
	v6 =	vmul.f32 $8.000000000e+00, v6  }
0x126: {  	v1 =	vld [tilespmem:s29+$0xC0];
	[tilespmem:s29+$0x50] =	vst v5;
	v2 =	vmul.f32 $8.000000000e+00, v2  }
0x127: {  	[tilespmem:s29+$0x60] =	vst v6;
	v6 =	vmul.f32 $8.000000000e+00, v3;
	v3 =	vld [tilespmem:s29+$0xD0]  }
0x128: {  	[tilespmem:s29+$0x70] =	vst v2;
	v2 =	vld [tilespmem:s29+$0xE0];
	v5 =	vmul.f32 $8.000000000e+00, v4  }
0x129: {  	s31 =	simm.s32 $0xB900;
	s30 =	simm.s32 $0x0;
	v4 =	vld [tilespmem:s29+$0xFFFFFF00];
	[tilespmem:s29+$0x80] =	vst v6;
	v6 =	vmul.f32 $8.000000000e+00, v7  }
.LBB2_9:
0x12a: {  	v7 =	vld [tilespmem:s31+$0xF0];
	s30 =	sadd.s32 $0x8, s30;
	[tilespmem:s29+$0x90] =	vst v5;
	v0 =	vmul.f32 $8.000000000e+00, v0  }
0x12b: {  	v5 =	vld [tilespmem:s31+$0xFFFFFF10];
	p0 =	slt.u32 s30, $0x40;
	[tilespmem:s29+$0xA0] =	vst v6;
	v1 =	vmul.f32 $8.000000000e+00, v1  }
0x12c: {  	v6 =	vld [tilespmem:s31+$0xFFFFFF20];
	[tilespmem:s29+$0xB0] =	vst v0;
	v0 =	vmul.f32 $8.000000000e+00, v3  }
0x12d: {  	v3 =	vld [tilespmem:s31+$0xFFFFFF30];
	[tilespmem:s29+$0xC0] =	vst v1;
	v1 =	vmul.f32 $8.000000000e+00, v2  }
0x12e: {  	v2 =	vld [tilespmem:s31+$0xFFFFFF40];
	v4 =	vmul.f32 $8.000000000e+00, v4;
	[tilespmem:s29+$0xD0] =	vst v0  }
0x12f: {  	v0 =	vld [tilespmem:s31+$0xFFFFFF50];
	v7 =	vmul.f32 $8.000000000e+00, v7;
	[tilespmem:s29+$0xE0] =	vst v1  }
0x130: {  	v1 =	vmul.f32 $8.000000000e+00, v5;
	v5 =	vld [tilespmem:s31+$0xFFFFFF60];
	[tilespmem:s29+$0xFFFFFF00] =	vst v4;
	s29 =	smov.u32 s31  }
0x131: {  	v4 =	vmul.f32 $8.000000000e+00, v6;
	v6 =	vld [tilespmem:s31+$0xFFFFFF70];
	[tilespmem:s31+$0xF0] =	vst v7  }
0x132: {  	[tilespmem:s31+$0xFFFFFF10] =	vst v1;
	v1 =	vmul.f32 $8.000000000e+00, v3;
	v3 =	vld [tilespmem:s31+$0xFFFFFF80]  }
0x133: {  	[tilespmem:s31+$0xFFFFFF20] =	vst v4;
	v2 =	vmul.f32 $8.000000000e+00, v2;
	v4 =	vld [tilespmem:s31+$0xFFFFFF90]  }
0x134: {  	[tilespmem:s31+$0xFFFFFF30] =	vst v1;
	v0 =	vmul.f32 $8.000000000e+00, v0;
	v1 =	vld [tilespmem:s31+$0xFFFFFFA0]  }
0x135: {  	[tilespmem:s31+$0xFFFFFF40] =	vst v2;
	v2 =	vmul.f32 $8.000000000e+00, v5;
	v5 =	vld [tilespmem:s31+$0xFFFFFFB0]  }
0x136: {  	[tilespmem:s31+$0xFFFFFF50] =	vst v0;
	v0 =	vmul.f32 $8.000000000e+00, v6;
	v6 =	vld [tilespmem:s31+$0xFFFFFFC0]  }
0x137: {  	[tilespmem:s31+$0xFFFFFF60] =	vst v2;
	v2 =	vmul.f32 $8.000000000e+00, v3;
	v3 =	vld [tilespmem:s31+$0xFFFFFFD0]  }
0x138: {  	[tilespmem:s31+$0xFFFFFF70] =	vst v0;
	v0 =	vmul.f32 $8.000000000e+00, v4;
	v4 =	vld [tilespmem:s31+$0xFFFFFFE0]  }
0x139: {  	[tilespmem:s31+$0xFFFFFF80] =	vst v2;
	v1 =	vmul.f32 $8.000000000e+00, v1;
	v2 =	vld [tilespmem:s31+$0xFFFFFFF0]  }
0x13a: {  	[tilespmem:s31+$0xFFFFFF90] =	vst v0;
	v0 =	vmul.f32 $8.000000000e+00, v5;
	v5 =	vld [tilespmem:s31+$0x0]  }
0x13b: {  	[tilespmem:s31+$0xFFFFFFA0] =	vst v1;
	v1 =	vmul.f32 $8.000000000e+00, v6;
	v6 =	vld [tilespmem:s31+$0x10]  }
0x13c: {  	[tilespmem:s31+$0xFFFFFFB0] =	vst v0;
	v0 =	vmul.f32 $8.000000000e+00, v3;
	v3 =	vld [tilespmem:s31+$0x20]  }
0x13d: {  	[tilespmem:s31+$0xFFFFFFC0] =	vst v1;
	v1 =	vmul.f32 $8.000000000e+00, v4;
	v4 =	vld [tilespmem:s31+$0x30]  }
0x13e: {  	[tilespmem:s31+$0xFFFFFFD0] =	vst v0;
	v0 =	vmul.f32 $8.000000000e+00, v2;
	v2 =	vld [tilespmem:s31+$0x40]  }
0x13f: {  	[tilespmem:s31+$0xFFFFFFE0] =	vst v1;
	v1 =	vmul.f32 $8.000000000e+00, v5;
	v5 =	vld [tilespmem:s31+$0x50]  }
0x140: {  	[tilespmem:s31+$0xFFFFFFF0] =	vst v0;
	v0 =	vmul.f32 $8.000000000e+00, v6;
	v6 =	vld [tilespmem:s31+$0x60]  }
0x141: {  	[tilespmem:s31+$0x0] =	vst v1;
	v1 =	vmul.f32 $8.000000000e+00, v3;
	v3 =	vld [tilespmem:s31+$0x70]  }
0x142: {  	[tilespmem:s31+$0x10] =	vst v0;
	v0 =	vmul.f32 $8.000000000e+00, v4;
	v4 =	vld [tilespmem:s31+$0x80]  }
0x143: {  	[tilespmem:s31+$0x20] =	vst v1;
	v1 =	vmul.f32 $8.000000000e+00, v2;
	v2 =	vld [tilespmem:s31+$0x90]  }
0x144: {  	[tilespmem:s31+$0x30] =	vst v0;
	v5 =	vmul.f32 $8.000000000e+00, v5;
	v7 =	vld [tilespmem:s31+$0xA0]  }
.Ltmp5:
0x145: {  	[tilespmem:s31+$0x40] =	vst v1;
	v6 =	vmul.f32 $8.000000000e+00, v6;
	v0 =	vld [tilespmem:s31+$0xB0];
	(pc) =	sbr.rel @p0 .LBB2_9-.Ltmp5, $4  }
0x146: {  	[tilespmem:s31+$0x50] =	vst v5;
	v5 =	vmul.f32 $8.000000000e+00, v3;
	v1 =	vld [tilespmem:s31+$0xC0]  }
0x147: {  	[tilespmem:s31+$0x60] =	vst v6;
	v6 =	vmul.f32 $8.000000000e+00, v4;
	v3 =	vld [tilespmem:s31+$0xD0]  }
0x148: {  	[tilespmem:s31+$0x70] =	vst v5;
	v5 =	vmul.f32 $8.000000000e+00, v2;
	v2 =	vld [tilespmem:s31+$0xE0]  }
0x149: {  	s31 =	sadd.s32 $0x200, s31;
	v4 =	vld [tilespmem:s29+$0xFFFFFF00];
	[tilespmem:s29+$0x80] =	vst v6;
	v6 =	vmul.f32 $8.000000000e+00, v7  }
0x14a: {  	[tilespmem:s29+$0x90] =	vst v5;
	v0 =	vmul.f32 $8.000000000e+00, v0  }
0x14b: {  	[tilespmem:s29+$0xA0] =	vst v6;
	v1 =	vmul.f32 $8.000000000e+00, v1  }
0x14c: {  	s28 =	smul.u32 $0x3200, s28;
	p0 =	seq.s32 s26, $0x3F;
	[tilespmem:s29+$0xB0] =	vst v0;
	v61 =	vmul.f32 $8.000000000e+00, v3  }
.Ltmp6:
0x14d: {  	[tilespmem:s29+$0xC0] =	vst v1;
	v62 =	vmul.f32 $8.000000000e+00, v2;
	(pc) =	sbr.rel @p0 .LBB2_12-.Ltmp6, $4  }
0x14e: {  	s28 =	sshrl.u32 s28, $0x3;
	v63 =	vmul.f32 $8.000000000e+00, v4;
	[tilespmem:s29+$0xD0] =	vst v61  }
0x14f: {  	s28 =	sadd.s32 s2, s28;
	[tilespmem:s29+$0xE0] =	vst v62  }
0x150: {  	s28 =	sadd.s32 $0x400, s28;
	[tilespmem:s29+$0xFFFFFF00] =	vst v63  }
0x151: {  	[hbm4b:s28+s4] =	stream.linear.scatter [tilespmem:s16], [sflag:$0x8], $0x1200, $0x38;
	[tilespmem:$0xC800] =	vst v63  }
0x152: {  	s28 =	smul.u32 $0x640, s26  }
0x153: {  	_ =	swait.ge [sflag:s21], $0x2000  }
0x154: {  	[sflag:s21] =	ssyncset.done $0x0;
	s28 =	sadd.s32 $0x640, s28  }
0x155: {  	[sflag:s21] =	ssyncadd.s32 $0xFFFFE000;
	s28 =	sshra.s32 s28, $0x2  }
0x156: {  	[tilespmem:s10], [sflag:$0x1] =	stream.indirect.gather [hbm4b:s5+s9], $0x40, s28, s9, $0xb8;
	[tilespmem:$0xC800] =	vst v63  }
0x157: {  	_ =	swait.ge [sflag:s22], $0x1200  }
0x158: {  	s29 =	sshll.u32 s26, $0x2;
	[sflag:s22] =	ssyncset.done $0x0  }
0x159: {  	s31 =	sadd.s32 $0x6, s29;
	s28 =	sadd.s32 $0x80, s28;
	[sflag:s22] =	ssyncadd.s32 $0xFFFFEE00  }
0x15a: {  	[tilespmem:s12], [sflag:$0x2] =	stream.indirect.gather [hbm4b:s5+s11], $0x40, s28, s11, $0xb8;
	[tilespmem:$0xC800] =	vst v63  }
0x15b: {  	s28 =	sshrl.u32 s31, $0x1  }
0x15c: {  	_ =	swait.ge [sflag:s23], $0x2000;
	s28 =	smul.u32 $0x320, s28  }
0x15d: {  	[sflag:s23] =	ssyncset.done $0x0  }
0x15e: {  	[sflag:s23] =	ssyncadd.s32 $0xFFFFE000;
	s28 =	sshra.s32 s28, $0x2  }
0x15f: {  	[tilespmem:s14], [sflag:$0x3] =	stream.indirect.gather [hbm4b:s5+s9], $0x40, s28, s9, $0xb8;
	[tilespmem:$0xC800] =	vst v63  }
.Ltmp7:
0x160: {  	_ = 	snop;
	(pc) =	sbr.rel .LBB2_2-.Ltmp7, $4  }
0x161: {  	_ =	swait.ge [sflag:s24], $0x1200  }
0x162: {  	[sflag:s24] =	ssyncset.done $0x0  }
0x163: {  	s26 =	sadd.s32 $0x1, s26;
	s28 =	sadd.s32 $0x80, s28;
	[sflag:s24] =	ssyncadd.s32 $0xFFFFEE00  }
0x164: {  	[tilespmem:s16], [sflag:$0x4] =	stream.indirect.gather [hbm4b:s5+s11], $0x40, s28, s11, $0xb8;
	[tilespmem:$0xC800] =	vst v63  }
.LBB2_13:
0x165: {  	_ =	sfence.sel $0x180000  }
0x166: {  	[bflag:$0x0] =	sbarrier.arrive $0xFFFF  }
0x167: {  	p0 =	sne.s32 s0, $0x0;
	_ =	strace $0x90000047  }
0x168: {  	s0 =	sadd.s32 @!p0 $0x100000, s1;
	[bflag:$0x2] =	sbarrier.arrive $0xFFFF  }
0x169: {  	[sflag:s0] =	ssyncadd.tile.s32 @!p0 $0x1;
	_ =	shalt  }
.Lfunc_end2:
_tile_overlayer_lowered:
.L_overlay_start_2:
0x16a: {  	(tag) =	ssettag $0x2  }
0x16b: {  	s0 =	rddreg [dreg:$0x0];
	s2 =	stileid.u32  }
0x16c: {  	s1 =	rddreg [dreg:$0x1];
	p0 =	sne.s32 s2, $0x0  }
0x16d: {  	s3 =	rddreg [dreg:$0x2];
	[bflag:$0x3] =	sbarrier.arrive $0xFFFF;
	s2 =	simm.s32 @!p0 $0x1C09  }
0x16e: {  	[timem:s3], [sflag:s2] =	dma.local @!p0 [hbm:s0], s1  }
0x16f: {  	s0 =	simm.s32 @!p0 $0x9  }
0x170: {  	_ =	swait.ge @!p0 [sflag:s0], s1  }
0x171: {  	s1 =	ssub.s32 @!p0 $0x0, s1;
	[sflag:s0] =	ssyncset.done @!p0 $0x0  }
0x172: {  	[sflag:s0] =	ssyncadd.s32 @!p0 s1  }
0x173: {  	[bflag:$0x3] =	sbarrier.arrive $0xFFFF  }
0x174: {  	_ =	shalt  }

// kernel: sparse-core-data-format-call.cloned.1.call-start
scs
called_computation_lowered:
.L_overlay_start_0:
0x0: {  	s2 =	sld [smem:$0x3FD9]  }
0x1: {  	s3 =	sld [smem:$0x3FFE];
	_ =	sdelay $0x1  }
0x2: {  	s1 =	srdreg.scid  }
0x3: {  	s0 =	sand.u32 $0x1, s1  }
0x4: {  	s18 =	sshll.u32 s0, $0xA;
	s2 =	sadd.s32 s3, s2  }
0x5: {  	s2 =	sadd.s32 s2, s18  }
0x6: {  	[smem:$0x3FC6] =	sst s2  }
0x7: {  	_ = 	snop  }
0x8: {  	s2 =	sld [smem:$0x3FD0];
	(tm) =	ssettm $0x1  }
0x9: {  	s19 =	sld [smem:$0x3FFB];
	_ =	sdelay $0x3  }
0xa: {  	_ =	strace s19  }
0xb: {  	s3 =	sld [smem:$0x3FFC];
	_ =	sdelay $0x3  }
0xc: {  	_ =	strace s3  }
0xd: {  	s3 =	sld [smem:$0x3FFD];
	_ =	sdelay $0x3  }
0xe: {  	_ =	strace s3  }
0xf: {  	_ =	strace $0x8FFFFFFF  }
0x10: {  	s20 =	sld [smem:$0x3FDB];
	_ =	sdelay $0x1  }
0x11: {  	s4 =	simm.s32 $_scs_section_size  }
0x12: {  	s5 =	simm.s32 $_size__tile_overlayer_lowered;
	s6 =	simm.s32 $_tile_overlayer_lowered  }
0x13: {  	s23 =	simm.s32 $0x1BFF;
	s22 =	sshll.u32 s6, $0x1;
	s3 =	sadd.s32 s4, s20  }
0x14: {  	s7 =	simm.s32 $0x0;
	s21 =	sshll.u32 s5, $0x1;
	s5 =	sadd.s32 s22, s3  }
0x15: {  	[timem:s7], [sflag:s23] =	dma.local [hbm:s5], s21  }
0x16: {  	_ =	swait.ge [sflag:s23], s21  }
0x17: {  	s4 =	ssub.s32 $0x0, s21;
	[sflag:s23] =	ssyncset.done $0x0  }
0x18: {  	[sflag:s23] =	ssyncadd.s32 s4;
	_ =	sdelay $0x1  }
0x19: {  	s24 =	simm.s32 $0x1B8B  }
0x1a: {  	_ =	swait.ge [sflag:s24], $0x1  }
0x1b: {  	[sflag:s24] =	ssyncset.done $0x0  }
0x1c: {  	s26 =	simm.s32 $0x1B8E;
	s25 =	sld [smem:$0x3FFE];
	[sflag:s24] =	ssyncadd.s32 $0xFFFFFFFF  }
0x1d: {  	s27 =	simm.s32 $execute0_lowered;
	[smem:$0x3FD2] =	sst s26  }
0x1e: {  	s5 =	sshll.u32 s27, $0x1;
	_ =	strace $0x80000049;
	[dreg:$0x1] =	wrdreg $0xFFFFFFFF  }
0x1f: {  	s28 =	simm.s32 $_size_execute0_lowered;
	s3 =	sadd.s32 s3, s5;
	[dreg:$0x0] =	wrdreg $0x0  }
0x20: {  	s5 =	sshll.u32 s28, $0x1;
	[dreg:$0x2] =	wrdreg s3  }
0x21: {  	[dreg:$0x3] =	wrdreg s5  }
0x22: {  	[dreg:$0x4] =	wrdreg $0xC0  }
0x23: {  	_ =	task [dreg:s7], $0x5FFFF  }
0x24: {  	[dreg:$0x1] =	wrdreg $0xFFFFFFFF  }
0x25: {  	[dreg:$0x0] =	wrdreg $0x60  }
0x26: {  	[dreg:$0x2] =	wrdreg s25  }
0x27: {  	[dreg:$0x3] =	wrdreg s2  }
0x28: {  	[dreg:$0x4] =	wrdreg $0x9  }
0x29: {  	_ =	task.clear_ibuf [dreg:s7], $0x5FFFF;
	_ =	strace $0x90000049  }
0x2a: {  	s29 =	simm.s32 $0x9;
	_ =	strace $0x8000004B  }
0x2b: {  	_ =	swait.ge [sflag:s29], $0x1  }
0x2c: {  	[sflag:s29] =	ssyncadd.s32 $0xFFFFFFFF  }
0x2d: {  	_ =	strace $0x9000004B  }
0x2e: {  	_ =	sfence  }
0x2f: {  	s30 =	sld [smem:$0x0];
	_ =	sdelay $0x2  }
0x30: {  	s31 =	sshll.u32 s1, $0xD;
	s1 =	sshrl.u32 s1, $0x2  }
0x31: {  	s3 =	sand.u32 $0x4000, s31;
	s1 =	sadd.s32 s1, s30  }
0x32: {  	s0 =	sor.u32 s3, s0;
	s1 =	sshll.u32 s1, $0x11  }
0x33: {  	s0 =	sor.u32 s1, s0  }
0x34: {  	s0 =	sadd.s32 $0x8F2B, s0  }
0x35: {  	[sflag:s0] =	ssyncadd.remote.s32 $0x1  }
0x36: {  	_ =	sfence.sel $0xFFFF  }
0x37: {  	[dreg:$0x0] =	wrdreg $0xFFFFFFFF;
	(pc) =	sbr.abs _section_cstart, $3  }
0x38: {  	[dreg:$0x1] =	wrdreg $0xFFFFFFFF  }
0x39: {  	_ =	task.clear_ibuf [dreg:s7], $0x2FFFF;
	_ =	strace $0x9FFFFFFF  }
0x3a: {  	(tm) =	ssettm $0x7FFFFFFF  }
0x3b: {  	_ =	shalt  }
tec
execute0_lowered:
.L_overlay_start_1:
0x0: {  	(tag) =	ssettag $0x1  }
0x1: {  	s0 =	srdreg.scid  }
0x2: {  	s1 =	sshll.u32 s0, $0x4  }
0x3: {  	s0 =	stileid.u32;
	s1 =	sand.u32 $0x10, s1  }
0x4: {  	s1 =	sor.u32 s0, s1  }
0x5: {  	s6 =	rddreg [dreg:$0x0];
	s4 =	simm.s32 $0x1;
	s2 =	sshll.u32 s1, $0x7  }
0x6: {  	s7 =	simm.s32 $0x2;
	s12 =	simm.s32 $0x0;
	s1 =	ssub.s32 $0x1000, s2  }
0x7: {  	s8 =	simm.s32 $0x8000;
	s13 =	simm.s32 $0x0;
	s3 =	sand.u32 $0xF80, s1  }
0x8: {  	s9 =	simm.s32 $0x0;
	s5 =	sshrl.u32 s1, $0xC;
	p0 =	sne.s32 s3, $0x0  }
.Ltmp0:
0x9: {  	s1 =	rddreg [dreg:$0x2];
	s4 =	simm.s32 @!p0 $0x0;
	(pc) =	sbr.rel .LBB1_1-.Ltmp0, $4  }
0xa: {  	s11 =	simm.s32 $0x0;
	s3 =	rddreg [dreg:$0x1];
	s5 =	sadd.s32 s4, s5  }
0xb: {  	_ =	strace $0x8000004A;
	s4 =	simm.s32 $0x1;
	s5 =	smul.u32 $0xC8, s5  }
0xc: {  	s6 =	sadd.s32 $0xA00, s6;
	s10 =	smov.u32 s2;
	[sflag:s4] =	ssyncpa.u1 $0x0  }
0xd: {  	p0 =	por $0x0, $0x0;
	[sflag:s7] =	ssyncpa.u1 $0x0;
	s7 =	sor.u32 $0x1, s5  }
.LBB1_4:
0xe: {  	s16 =	sshll.u32 s13, $0x3;
	s17 =	sand.u32 $0x78, s13  }
0xf: {  	s30 =	sand.u32 $0x7E00, s13;
	s12 =	sshll.u32 s12, $0xF;
	s16 =	sand.u32 $0xC00, s16  }
0x10: {  	[tilespmem:s15+$0x810 ss:$0x81] =	vst.msk $0xffff, v2;
	s31 =	sand.u32 $0x7, s13;
	s16 =	sor.u32 s17, s16;
	s17 =	sadd.s32 s3, s30  }
0x11: {  	[tilespmem:s15+$0x1020 ss:$0x81] =	vst.msk $0xffff, v0;
	s13 =	sshll.u32 s31, $0x12;
	s12 =	sadd.s32 s12, s17;
	s16 =	sshrl.u32 s16, $0x3  }
0x12: {  	[tilespmem:s15+$0x0 ss:$0x81] =	vst.msk $0xffff, v1;
	s13 =	sor.u32 $0x400, s13;
	s12 =	sadd.s32 s16, s12  }
0x13: {  	[hbm4b:s12+s13] =	stream.strided.scatter [tilespmem:s14], [sflag:$0x2], $0x2000, s8, s13, $0x20;
	[tilespmem:$0x8080] =	vst v63  }
.LBB1_5:
0x14: {  	s14 =	sadd.s32 $0x1, s9  }
0x15: {  	s12 =	sadd.s32 $0x1000, s10;
	s16 =	smov.u32 s10;
	p2 =	sgt.s32 s14, $0xC7  }
0x16: {  	s16 =	smov.u32 @p2 s12  }
0x17: {  	s14 =	simm.s32 @p2 $0x0;
	p2 =	sgt.s32 s16, $0xFFF  }
0x18: {  	s16 =	smov.u32 @p2 s2;
	p2 =	sne.s32 s11, s7  }
.Ltmp1:
0x19: {  	p1 =	slt.u32 s11, $0x2;
	(pc) =	sbr.rel @!p2 .LBB1_6-.Ltmp1, $4  }
0x1a: {  	s15 =	simm.s32 @!p1 $0x2  }
0x1b: {  	s13 =	smov.u32 s10;
	p0 =	por !p0, !p0;
	_ =	swait.ge @!p1 [sflag:s15], $0x2000  }
0x1c: {  	s12 =	smov.u32 s9;
	[sflag:s15] =	ssyncset.done @!p1 $0x0;
	s9 =	smov.u32 s14  }
0x1d: {  	s11 =	sadd.s32 $0x1, s11;
	[sflag:s15] =	ssyncadd.s32 @!p1 $0xFFFFE000;
	s10 =	smov.u32 s16  }
.LBB1_1:
0x1e: {  	p1 =	sge.u32 s11, s5  }
0x1f: {  	s14 =	sand.u32 @!p1 $0x1FFFFFF, s9  }
0x20: {  	s15 =	smulhi.u32 @!p1 $0x147AE15, s14;
	_ =	sdelay $0x1  }
0x21: {  	s15 =	smul.u32 @!p1 $0xC8, s15  }
0x22: {  	s16 =	sxor.u32 @!p1 $0xFFFFFFFF, s11;
	s17 =	smul.u32 @!p1 $0xC80, s10  }
0x23: {  	s31 =	sadd.s32 $0xFFFFFFFF, s11;
	s16 =	sshll.u32 @!p1 s16, $0xD;
	s14 =	ssub.s32 @!p1 s14, s15  }
0x24: {  	s15 =	sand.u32 @!p1 $0x2000, s16;
	s16 =	sadd.s32 @!p1 s6, s17;
	s14 =	sshll.u32 @!p1 s14, $0x4  }
0x25: {  	s17 =	simm.s32 @!p1 $0x6400;
	s14 =	sadd.s32 @!p1 s14, s16;
	s16 =	simm.s32 @!p1 $0x40  }
0x26: {  	[tilespmem:s15], [sflag:$0x1] =	stream.strided.gather @!p1 [hbm4b:s14+s16], $0x2000, s17, s16, $0x38;
	[tilespmem:$0x8080] =	vst v63  }
0x27: {  	p1 =	sge.u32 s31, s5  }
.Ltmp2:
0x28: {  	_ = 	snop;
	(pc) =	sbr.rel @p1 .LBB1_5-.Ltmp2, $1  }
0x29: {  	_ =	sdelay $0x3  }
0x2a: {  	s14 =	simm.s32 $0x1  }
0x2b: {  	_ =	swait.ge [sflag:s4], $0x2000;
	s14 =	simm.s32 @!p0 $0x0  }
0x2c: {  	[sflag:s4] =	ssyncset.done $0x0;
	s15 =	sshll.u32 s14, $0xD  }
0x2d: {  	[sflag:s4] =	ssyncadd.s32 $0xFFFFE000;
	s18 =	sor.u32 $0x20, s15  }
0x2e: {  	s14 =	smul.u32 $0x8100, s14;
	v3 =	vld [tilespmem:s18+$0x10]  }
0x2f: {  	s30 =	sand.u32 $0x1, s11;
	v2 =	vld [tilespmem:s18+$0xFFFFFFF0]  }
0x30: {  	s15 =	smul.u32 $0x8100, s30;
	s14 =	sshrl.u32 s14, $0x2;
	v0 =	vld [tilespmem:s18+$0x0]  }
0x31: {  	v1 =	vld [tilespmem:s18+$0xFFFFFFE0];
	s16 =	sor.u32 $0x4000, s14  }
0x32: {  	s31 =	sshrl.u32 s15, $0x2;
	s15 =	sadd.s32 $0x0, s16  }
0x33: {  	s17 =	simm.s32 $0x4;
	s18 =	sadd.s32 $0x40, s18;
	s14 =	sor.u32 $0x4000, s31;
	[tilespmem:s15+$0x1830 ss:$0x81] =	vst.msk $0xffff, v3  }
.LBB1_3:
0x34: {  	v3 =	vld [tilespmem:s18+$0x10];
	p1 =	sne.s32 s17, $0x1FC;
	[tilespmem:s15+$0x810 ss:$0x81] =	vst.msk $0xffff, v2;
	s19 =	smov.u32 s17;
	s17 =	sadd.s32 $0x4, s17  }
.Ltmp3:
0x35: {  	v2 =	vld [tilespmem:s18+$0xFFFFFFF0];
	[tilespmem:s15+$0x1020 ss:$0x81] =	vst.msk $0xffff, v0;
	(pc) =	sbr.rel @p1 .LBB1_3-.Ltmp3, $4  }
0x36: {  	v0 =	vld [tilespmem:s18+$0x0];
	[tilespmem:s15+$0x0 ss:$0x81] =	vst.msk $0xffff, v1  }
0x37: {  	s15 =	sshra.s32 s19, $0x2;
	v1 =	vld [tilespmem:s18+$0xFFFFFFE0]  }
0x38: {  	s15 =	sadd.s32 s15, s16  }
0x39: {  	s18 =	sadd.s32 $0x40, s18;
	[tilespmem:s15+$0x1830 ss:$0x81] =	vst.msk $0xffff, v3  }
.Ltmp4:
0x3a: {  	_ = 	snop;
	(pc) =	sbr.rel .LBB1_4-.Ltmp4, $1  }
0x3b: {  	_ =	sdelay $0x3  }
.LBB1_6:
0x3c: {  	_ =	sfence.sel $0x180000  }
0x3d: {  	s2 =	simm.s32 $0x1;
	[bflag:$0x0] =	sbarrier.arrive $0xFFFF  }
0x3e: {  	s31 =	simm.s32 $0x2;
	[sflag:s2] =	ssyncpa.u1 $0x1  }
0x3f: {  	[sflag:s31] =	ssyncpa.u1 $0x1  }
0x40: {  	p0 =	sne.s32 s0, $0x0;
	_ =	strace $0x9000004A  }
0x41: {  	s0 =	sadd.s32 @!p0 $0x100000, s1;
	[bflag:$0x2] =	sbarrier.arrive $0xFFFF  }
0x42: {  	[sflag:s0] =	ssyncadd.tile.s32 @!p0 $0x1;
	_ =	shalt  }
.Lfunc_end1:
_tile_overlayer_lowered:
.L_overlay_start_2:
0x43: {  	(tag) =	ssettag $0x2  }
0x44: {  	s0 =	rddreg [dreg:$0x0];
	s2 =	stileid.u32  }
0x45: {  	s1 =	rddreg [dreg:$0x1];
	p0 =	sne.s32 s2, $0x0  }
0x46: {  	s3 =	rddreg [dreg:$0x2];
	[bflag:$0x3] =	sbarrier.arrive $0xFFFF;
	s2 =	simm.s32 @!p0 $0x1C01  }
0x47: {  	[timem:s3], [sflag:s2] =	dma.local @!p0 [hbm:s0], s1  }
0x48: {  	s0 =	simm.s32 @!p0 $0x1  }
0x49: {  	_ =	swait.ge @!p0 [sflag:s0], s1  }
0x4a: {  	s1 =	ssub.s32 @!p0 $0x0, s1;
	[sflag:s0] =	ssyncset.done @!p0 $0x0  }
0x4b: {  	[sflag:s0] =	ssyncadd.s32 @!p0 s1  }
0x4c: {  	[bflag:$0x3] =	sbarrier.arrive $0xFFFF  }
0x4d: {  	_ =	shalt  }

</sc_bundles>
